<compile_context>
chip_gen: v7x
topology: tpu7x:2x2x1
jax: 0.10.2.dev20260603
libtpu: 0.0.44.dev20260713+nightly
codegen_flags: <defaults>
</compile_context>

<pallas_src>
import functools

import jax
import jax.numpy as jnp
from jax import lax
from jax.experimental import pallas as pl
from jax.experimental.pallas import tpu as pltpu
from jax.experimental.pallas import tpu_sc as plsc

NUM_USERS = 100000
NUM_MOVIES = 100000
EMBED_DIM = 128
INPUT_DIM = 64
BATCH = 16384
MEAN_RATING = 3.5

_NC = 2
_NS = 16
_NW = _NC * _NS
_B_PER_W = BATCH // _NW
_CHUNK = 128
_NCHUNK = _B_PER_W // _CHUNK
_DEPTH = 3


def _gather_call(user_idx, movie_idx, user_embed, movie_embed,
                 user_bias, movie_bias):
    mesh = plsc.VectorSubcoreMesh(core_axis_name="c", subcore_axis_name="s")

    @functools.partial(
        pl.kernel,
        out_type=(
            jax.ShapeDtypeStruct((BATCH, EMBED_DIM), jnp.float32),
            jax.ShapeDtypeStruct((BATCH, EMBED_DIM), jnp.float32),
            jax.ShapeDtypeStruct((BATCH,), jnp.float32),
            jax.ShapeDtypeStruct((BATCH,), jnp.float32),
        ),
        mesh=mesh,
        compiler_params=pltpu.CompilerParams(use_tc_tiling_on_sc=False),
        scratch_types=[
            pltpu.VMEM((_NCHUNK, _CHUNK), jnp.int32),
            pltpu.VMEM((_NCHUNK, _CHUNK), jnp.int32),
        ] + [
            pltpu.VMEM((_CHUNK, EMBED_DIM), jnp.float32)
            for _ in range(_DEPTH)
        ] + [
            pltpu.VMEM((_B_PER_W,), jnp.float32),
            pltpu.VMEM((_B_PER_W,), jnp.float32),
        ] + [pltpu.SemaphoreType.DMA for _ in range(2 * _DEPTH)]
        + [pltpu.SemaphoreType.DMA],
    )
    def gather_k(uidx_hbm, midx_hbm, utab_hbm, mtab_hbm, ubias_hbm, mbias_hbm,
                 uout, mout, ubout, mbout,
                 idx_u, idx_m, *rest):
        bufs = rest[:_DEPTH]
        ub, mb = rest[_DEPTH], rest[_DEPTH + 1]
        sems = rest[_DEPTH + 2:_DEPTH + 2 + _DEPTH]
        ssems = rest[_DEPTH + 2 + _DEPTH:_DEPTH + 2 + 2 * _DEPTH]
        bsem = rest[_DEPTH + 2 + 2 * _DEPTH]

        wid = lax.axis_index("s") * _NC + lax.axis_index("c")
        base = wid * _B_PER_W

        pltpu.sync_copy(uidx_hbm.at[wid], idx_u)
        pltpu.sync_copy(midx_hbm.at[wid], idx_m)

        bias_copies = []
        for c in range(_NCHUNK):
            bias_copies.append(pltpu.async_copy(
                ubias_hbm.at[idx_u.at[c]],
                ub.at[pl.ds(c * _CHUNK, _CHUNK)], bsem))
            bias_copies.append(pltpu.async_copy(
                mbias_hbm.at[idx_m.at[c]],
                mb.at[pl.ds(c * _CHUNK, _CHUNK)], bsem))

        steps = []
        for c in range(_NCHUNK):
            steps.append((utab_hbm, idx_u.at[c], uout, c))
        for c in range(_NCHUNK):
            steps.append((mtab_hbm, idx_m.at[c], mout, c))

        n = len(steps)
        copies = [None] * n
        stores = [None] * n

        def _start_store(s):
            _, _, s_out, s_c = steps[s]
            copies[s].wait()
            stores[s] = pltpu.async_copy(
                bufs[s % _DEPTH],
                s_out.at[pl.ds(base + s_c * _CHUNK, _CHUNK)],
                ssems[s % _DEPTH])

        for t, (tab, idx, _, _c) in enumerate(steps):
            if t >= _DEPTH:
                stores[t - _DEPTH].wait()
            copies[t] = pltpu.async_copy(tab.at[idx], bufs[t % _DEPTH],
                                         sems[t % _DEPTH])
            if t >= _DEPTH - 1:
                _start_store(t - (_DEPTH - 1))
        for s in range(n - (_DEPTH - 1), n):
            _start_store(s)
        for s in range(n - _DEPTH, n):
            stores[s].wait()

        for cp in bias_copies:
            cp.wait()
        pltpu.sync_copy(ub, ubout.at[pl.ds(base, _B_PER_W)])
        pltpu.sync_copy(mb, mbout.at[pl.ds(base, _B_PER_W)])

    uidx = user_idx.astype(jnp.int32).reshape(_NW, _NCHUNK, _CHUNK)
    midx = movie_idx.astype(jnp.int32).reshape(_NW, _NCHUNK, _CHUNK)
    pad = (-NUM_USERS) % 128
    ub1d = jnp.pad(user_bias, ((0, pad), (0, 0))).reshape(-1)
    mb1d = jnp.pad(movie_bias, ((0, pad), (0, 0))).reshape(-1)
    return gather_k(uidx, midx, user_embed, movie_embed, ub1d, mb1d)


_SCALE = 0.08838834764831845


def _mlp_body(nxt, u, m, ub, mb, w1, b1, w2, b2, w3r, b3, o):
    blk = u.shape[0]
    i = pl.program_id(0)
    uu = u[...]
    mm = m[...]
    h = jax.lax.dot_general(nxt[:, pl.ds(i * blk, blk)], w1[0:INPUT_DIM, :],
                            (((0,), (0,)), ((), ())),
                            preferred_element_type=jnp.float32)
    hu = jnp.dot(uu, w1[INPUT_DIM:INPUT_DIM + EMBED_DIM, :],
                 preferred_element_type=jnp.float32)
    hm = jnp.dot(mm, w1[INPUT_DIM + EMBED_DIM:INPUT_DIM + 2 * EMBED_DIM, :],
                 preferred_element_type=jnp.float32)
    hi = jnp.dot(uu * mm, w1[INPUT_DIM + 2 * EMBED_DIM:, :],
                 preferred_element_type=jnp.float32)
    h = h + _SCALE * (hu + hm) + (_SCALE * _SCALE) * hi
    h = jnp.maximum(h + b1[...], 0.0)
    h = jnp.maximum(jnp.dot(h, w2[...], preferred_element_type=jnp.float32)
                    + b2[...], 0.0)
    ht = jax.lax.transpose(h, (1, 0))
    s = jnp.dot(w3r[...], ht, preferred_element_type=jnp.float32)
    o[0] = s + b3[0, 0] + ub[0] + mb[0] + MEAN_RATING


def _mlp_call(numeric_x_t, u_rows, m_rows, ub, mb, W1, b1, W2, b2, W3, b3):
    blk = 4096
    grid = (BATCH // blk,)
    row = lambda i: (i, 0)
    fixed = lambda i: (0, 0)
    return pl.pallas_call(
        _mlp_body,
        grid=grid,
        in_specs=[
            pl.BlockSpec((INPUT_DIM, BATCH), lambda i: (0, 0)),
            pl.BlockSpec((blk, EMBED_DIM), row),
            pl.BlockSpec((blk, EMBED_DIM), row),
            pl.BlockSpec((1, 1, blk), lambda i: (i, 0, 0)),
            pl.BlockSpec((1, 1, blk), lambda i: (i, 0, 0)),
            pl.BlockSpec((INPUT_DIM + 3 * EMBED_DIM, 64), fixed),
            pl.BlockSpec((1, 64), fixed),
            pl.BlockSpec((64, 32), fixed),
            pl.BlockSpec((1, 32), fixed),
            pl.BlockSpec((1, 32), fixed),
            pl.BlockSpec((1, 1), fixed),
        ],
        out_specs=pl.BlockSpec((1, 1, blk), lambda i: (i, 0, 0)),
        out_shape=jax.ShapeDtypeStruct((BATCH // blk, 1, blk), jnp.float32),
    )(numeric_x_t, u_rows, m_rows, ub, mb, W1, b1, W2, b2, W3, b3)


def kernel(numeric_x, user_x, movie_x, user_embed, movie_embed,
           user_bias, movie_bias, W1, b1, W2, b2, W3, b3):
    u_rows, m_rows, ub, mb = _gather_call(
        user_x, movie_x, user_embed, movie_embed, user_bias, movie_bias)

    blk = 4096
    out = _mlp_call(
        numeric_x.T, u_rows, m_rows,
        ub.reshape(BATCH // blk, 1, blk), mb.reshape(BATCH // blk, 1, blk),
        W1, b1.reshape(1, 64), W2, b2.reshape(1, 32), W3.reshape(1, 32),
        b3.reshape(1, 1))
    return out.reshape(BATCH, 1)

# --- scband reference (transcript-rebuilt; emitter-appended) ---
"""Pipeline reference for scband-movie-recommender-emb-44530220925286 (READ-ONLY COPY).

The authoritative reference and input builder live on the scoring server;
editing this copy changes nothing except your own understanding.
"""

import jax, jax.numpy as jnp
import numpy as np

NUM_USERS = 100000
NUM_MOVIES = 100000
EMBED_DIM = 128
INPUT_DIM = 64
BATCH = 16384
MEAN_RATING = 3.5


def setup_inputs(seed: int = 0) -> dict:
    key = jax.random.key(seed)
    ks = jax.random.split(key, 12)
    numeric_x = jax.random.normal(ks[0], (BATCH, INPUT_DIM), dtype=jnp.float32)
    user_x = jax.random.randint(ks[1], (BATCH,), 0, NUM_USERS, dtype=jnp.int64 if jax.config.jax_enable_x64 else jnp.int32)
    movie_x = jax.random.randint(ks[2], (BATCH,), 0, NUM_MOVIES, dtype=jnp.int64 if jax.config.jax_enable_x64 else jnp.int32)
    user_embed = jax.random.normal(ks[3], (NUM_USERS, EMBED_DIM), dtype=jnp.float32)
    movie_embed = jax.random.normal(ks[4], (NUM_MOVIES, EMBED_DIM), dtype=jnp.float32)
    user_bias = jnp.zeros((NUM_USERS, 1), dtype=jnp.float32)
    movie_bias = jnp.zeros((NUM_MOVIES, 1), dtype=jnp.float32)
    fc_in = INPUT_DIM + 3 * EMBED_DIM
    W1 = jax.random.normal(ks[5], (fc_in, 64), dtype=jnp.float32) * (1.0 / np.sqrt(fc_in))
    b1 = jnp.zeros((64,), dtype=jnp.float32)
    W2 = jax.random.normal(ks[6], (64, 32), dtype=jnp.float32) * (1.0 / np.sqrt(64.0))
    b2 = jnp.zeros((32,), dtype=jnp.float32)
    W3 = jax.random.normal(ks[7], (32, 1), dtype=jnp.float32) * (1.0 / np.sqrt(32.0))
    b3 = jnp.zeros((1,), dtype=jnp.float32)
    return {"numeric_x": numeric_x, "user_x": user_x, "movie_x": movie_x,
            "user_embed": user_embed, "movie_embed": movie_embed,
            "user_bias": user_bias, "movie_bias": movie_bias,
            "W1": W1, "b1": b1, "W2": W2, "b2": b2, "W3": W3, "b3": b3}


def reference(numeric_x, user_x, movie_x, user_embed, movie_embed, user_bias, movie_bias, W1, b1, W2, b2, W3, b3):
    scale = 1.0 / jnp.sqrt(jnp.float32(EMBED_DIM))
    user_vec = jnp.take(user_embed, user_x, axis=0) * scale
    movie_vec = jnp.take(movie_embed, movie_x, axis=0) * scale
    interaction = user_vec * movie_vec
    x = jnp.concatenate([numeric_x, user_vec, movie_vec, interaction], axis=1)
    h = jax.nn.relu(x @ W1 + b1)
    h = jax.nn.relu(h @ W2 + b2)
    base = h @ W3 + b3
    bias = jnp.take(user_bias, user_x, axis=0) + jnp.take(movie_bias, movie_x, axis=0)
    return base + bias + MEAN_RATING

if __name__ == "__main__":
    import jax
    _d = setup_inputs()
    print(jax.jit(kernel)(*tuple(_d.values())))

</pallas_src>

<mosaic_0001>
#map = affine_map<(d0, d1) -> (0, 0, 0)>
#map1 = affine_map<(d0, d1) -> (0, 0)>
#map2 = affine_map<(d0, d1) -> (0)>
module attributes {stable_mosaic.version = 14 : i64} {
  func.func @gather_k(%arg0: i32, %arg1: i32, %arg2: memref<32x4x128xi32, #tpu.memory_space<hbm>>, %arg3: memref<32x4x128xi32, #tpu.memory_space<hbm>>, %arg4: memref<100000x128xf32, #tpu.memory_space<hbm>>, %arg5: memref<100000x128xf32, #tpu.memory_space<hbm>>, %arg6: memref<100096xf32, #tpu.memory_space<hbm>>, %arg7: memref<100096xf32, #tpu.memory_space<hbm>>, %arg8: memref<16384x128xf32, #tpu.memory_space<hbm>>, %arg9: memref<16384x128xf32, #tpu.memory_space<hbm>>, %arg10: memref<16384xf32, #tpu.memory_space<hbm>>, %arg11: memref<16384xf32, #tpu.memory_space<hbm>>, %arg12: memref<4x128xi32, #tpu.memory_space<vmem>>, %arg13: memref<4x128xi32, #tpu.memory_space<vmem>>, %arg14: memref<128x128xf32, #tpu.memory_space<vmem>>, %arg15: memref<128x128xf32, #tpu.memory_space<vmem>>, %arg16: memref<128x128xf32, #tpu.memory_space<vmem>>, %arg17: memref<512xf32, #tpu.memory_space<vmem>>, %arg18: memref<512xf32, #tpu.memory_space<vmem>>, %arg19: memref<!tpu.dma_semaphore, #tpu.memory_space<semaphore_mem>>, %arg20: memref<!tpu.dma_semaphore, #tpu.memory_space<semaphore_mem>>, %arg21: memref<!tpu.dma_semaphore, #tpu.memory_space<semaphore_mem>>, %arg22: memref<!tpu.dma_semaphore, #tpu.memory_space<semaphore_mem>>, %arg23: memref<!tpu.dma_semaphore, #tpu.memory_space<semaphore_mem>>, %arg24: memref<!tpu.dma_semaphore, #tpu.memory_space<semaphore_mem>>, %arg25: memref<!tpu.dma_semaphore, #tpu.memory_space<semaphore_mem>>) attributes {dimension_semantics = [#tpu.dimension_semantics<core_parallel>, #tpu.dimension_semantics<subcore_parallel>], iteration_bounds = array<i64: 2, 16>, scalar_prefetch = 0 : i64, scratch_operands = 14 : i64, tpu.core_type = #tpu.core_type<sc_vector_subcore>, window_params = [{transform_indices = #map}, {transform_indices = #map}, {transform_indices = #map1}, {transform_indices = #map1}, {transform_indices = #map2}, {transform_indices = #map2}, {transform_indices = #map1}, {transform_indices = #map1}, {transform_indices = #map2}, {transform_indices = #map2}]} {
    %mul3A = arith.constant 2 : i32
    %mul3A_0 = arith.muli %arg1, %mul3A : i32
    %add3A = arith.addi %mul3A_0, %arg0 : i32
    %mul3A_1 = arith.constant 512 : i32
    %mul3A_2 = arith.muli %add3A, %mul3A_1 : i32
    "tpu.region"() ({
      %run_scoped3A = tpu.sem_alloc : memref<!tpu.dma_semaphore, #tpu.memory_space<semaphore_mem>>
      %dma_start3A_321 = arith.constant 0 : i32
      %dma_start3A_322 = arith.constant 0 : i32
      %dma_start3A_323 = tpu.memref_slice %arg2[%add3A, %dma_start3A_321, %dma_start3A_322] : memref<32x4x128xi32, #tpu.memory_space<hbm>> -> memref<1x4x128xi32, #tpu.memory_space<hbm>>
      %dma_start3A_324 = tpu.memref_squeeze %dma_start3A_323 : memref<1x4x128xi32, #tpu.memory_space<hbm>> -> memref<4x128xi32, #tpu.memory_space<hbm>>
      %dma_start3A_325 = arith.constant 0 : i32
      %dma_start3A_326 = arith.constant 0 : i32
      %dma_start3A_327 = tpu.memref_slice %arg2[%add3A, %dma_start3A_325, %dma_start3A_326] : memref<32x4x128xi32, #tpu.memory_space<hbm>> -> memref<1x4x128xi32, #tpu.memory_space<hbm>>
      %dma_start3A_328 = tpu.memref_squeeze %dma_start3A_327 : memref<1x4x128xi32, #tpu.memory_space<hbm>> -> memref<4x128xi32, #tpu.memory_space<hbm>>
      tpu.enqueue_dma source(%dma_start3A_328 : memref<4x128xi32, #tpu.memory_space<hbm>>) target(%arg12 : memref<4x128xi32, #tpu.memory_space<vmem>>) target_semaphore(%run_scoped3A : memref<!tpu.dma_semaphore, #tpu.memory_space<semaphore_mem>>)
      %dma_wait3A_329 = arith.constant 0 : i32
      %dma_wait3A_330 = arith.constant 0 : i32
      %dma_wait3A_331 = tpu.memref_slice %arg2[%add3A, %dma_wait3A_329, %dma_wait3A_330] : memref<32x4x128xi32, #tpu.memory_space<hbm>> -> memref<1x4x128xi32, #tpu.memory_space<hbm>>
      %dma_wait3A_332 = tpu.memref_squeeze %dma_wait3A_331 : memref<1x4x128xi32, #tpu.memory_space<hbm>> -> memref<4x128xi32, #tpu.memory_space<hbm>>
      %dma_wait3A_333 = arith.constant 0 : i32
      %dma_wait3A_334 = arith.constant 0 : i32
      %dma_wait3A_335 = tpu.memref_slice %arg2[%add3A, %dma_wait3A_333, %dma_wait3A_334] : memref<32x4x128xi32, #tpu.memory_space<hbm>> -> memref<1x4x128xi32, #tpu.memory_space<hbm>>
      %dma_wait3A_336 = tpu.memref_squeeze %dma_wait3A_335 : memref<1x4x128xi32, #tpu.memory_space<hbm>> -> memref<4x128xi32, #tpu.memory_space<hbm>>
      tpu.wait_dma2 semaphore(%run_scoped3A : memref<!tpu.dma_semaphore, #tpu.memory_space<semaphore_mem>>) src(%dma_wait3A_336 : memref<4x128xi32, #tpu.memory_space<hbm>>) dst(%arg12 : memref<4x128xi32, #tpu.memory_space<vmem>>)
      tpu.yield
    }) : () -> ()
    "tpu.region"() ({
      %run_scoped3A = tpu.sem_alloc : memref<!tpu.dma_semaphore, #tpu.memory_space<semaphore_mem>>
      %dma_start3A_321 = arith.constant 0 : i32
      %dma_start3A_322 = arith.constant 0 : i32
      %dma_start3A_323 = tpu.memref_slice %arg3[%add3A, %dma_start3A_321, %dma_start3A_322] : memref<32x4x128xi32, #tpu.memory_space<hbm>> -> memref<1x4x128xi32, #tpu.memory_space<hbm>>
      %dma_start3A_324 = tpu.memref_squeeze %dma_start3A_323 : memref<1x4x128xi32, #tpu.memory_space<hbm>> -> memref<4x128xi32, #tpu.memory_space<hbm>>
      %dma_start3A_325 = arith.constant 0 : i32
      %dma_start3A_326 = arith.constant 0 : i32
      %dma_start3A_327 = tpu.memref_slice %arg3[%add3A, %dma_start3A_325, %dma_start3A_326] : memref<32x4x128xi32, #tpu.memory_space<hbm>> -> memref<1x4x128xi32, #tpu.memory_space<hbm>>
      %dma_start3A_328 = tpu.memref_squeeze %dma_start3A_327 : memref<1x4x128xi32, #tpu.memory_space<hbm>> -> memref<4x128xi32, #tpu.memory_space<hbm>>
      tpu.enqueue_dma source(%dma_start3A_328 : memref<4x128xi32, #tpu.memory_space<hbm>>) target(%arg13 : memref<4x128xi32, #tpu.memory_space<vmem>>) target_semaphore(%run_scoped3A : memref<!tpu.dma_semaphore, #tpu.memory_space<semaphore_mem>>)
      %dma_wait3A_329 = arith.constant 0 : i32
      %dma_wait3A_330 = arith.constant 0 : i32
      %dma_wait3A_331 = tpu.memref_slice %arg3[%add3A, %dma_wait3A_329, %dma_wait3A_330] : memref<32x4x128xi32, #tpu.memory_space<hbm>> -> memref<1x4x128xi32, #tpu.memory_space<hbm>>
      %dma_wait3A_332 = tpu.memref_squeeze %dma_wait3A_331 : memref<1x4x128xi32, #tpu.memory_space<hbm>> -> memref<4x128xi32, #tpu.memory_space<hbm>>
      %dma_wait3A_333 = arith.constant 0 : i32
      %dma_wait3A_334 = arith.constant 0 : i32
      %dma_wait3A_335 = tpu.memref_slice %arg3[%add3A, %dma_wait3A_333, %dma_wait3A_334] : memref<32x4x128xi32, #tpu.memory_space<hbm>> -> memref<1x4x128xi32, #tpu.memory_space<hbm>>
      %dma_wait3A_336 = tpu.memref_squeeze %dma_wait3A_335 : memref<1x4x128xi32, #tpu.memory_space<hbm>> -> memref<4x128xi32, #tpu.memory_space<hbm>>
      tpu.wait_dma2 semaphore(%run_scoped3A : memref<!tpu.dma_semaphore, #tpu.memory_space<semaphore_mem>>) src(%dma_wait3A_336 : memref<4x128xi32, #tpu.memory_space<hbm>>) dst(%arg13 : memref<4x128xi32, #tpu.memory_space<vmem>>)
      tpu.yield
    }) : () -> ()
    %dma_start3A = arith.constant 0 : i32
    %dma_start3A_3 = arith.constant 0 : i32
    %dma_start3A_4 = tpu.memref_slice %arg17[%dma_start3A_3] : memref<512xf32, #tpu.memory_space<vmem>> -> memref<128xf32, #tpu.memory_space<vmem>>
    %dma_start3A_5 = arith.constant 0 : i32
    %dma_start3A_6 = tpu.memref_slice %arg12[%dma_start3A, %dma_start3A_5] : memref<4x128xi32, #tpu.memory_space<vmem>> -> memref<1x128xi32, #tpu.memory_space<vmem>>
    %dma_start3A_7 = tpu.memref_squeeze %dma_start3A_6 : memref<1x128xi32, #tpu.memory_space<vmem>> -> memref<128xi32, #tpu.memory_space<vmem>>
    %dma_start3A_8 = arith.constant 0 : i32
    %dma_start3A_9 = tpu.memref_slice %arg6[%dma_start3A_8] : memref<100096xf32, #tpu.memory_space<hbm>> -> memref<100096xf32, #tpu.memory_space<hbm>>
    tpu.enqueue_indirect_dma source(%dma_start3A_9 : memref<100096xf32, #tpu.memory_space<hbm>>) target(%dma_start3A_4 : memref<128xf32, #tpu.memory_space<vmem>>) offsets(%dma_start3A_7 : memref<128xi32, #tpu.memory_space<vmem>>) semaphore(%arg25 : memref<!tpu.dma_semaphore, #tpu.memory_space<semaphore_mem>>)
    %dma_start3A_10 = arith.constant 0 : i32
    %dma_start3A_11 = arith.constant 0 : i32
    %dma_start3A_12 = tpu.memref_slice %arg18[%dma_start3A_11] : memref<512xf32, #tpu.memory_space<vmem>> -> memref<128xf32, #tpu.memory_space<vmem>>
    %dma_start3A_13 = arith.constant 0 : i32
    %dma_start3A_14 = tpu.memref_slice %arg13[%dma_start3A_10, %dma_start3A_13] : memref<4x128xi32, #tpu.memory_space<vmem>> -> memref<1x128xi32, #tpu.memory_space<vmem>>
    %dma_start3A_15 = tpu.memref_squeeze %dma_start3A_14 : memref<1x128xi32, #tpu.memory_space<vmem>> -> memref<128xi32, #tpu.memory_space<vmem>>
    %dma_start3A_16 = arith.constant 0 : i32
    %dma_start3A_17 = tpu.memref_slice %arg7[%dma_start3A_16] : memref<100096xf32, #tpu.memory_space<hbm>> -> memref<100096xf32, #tpu.memory_space<hbm>>
    tpu.enqueue_indirect_dma source(%dma_start3A_17 : memref<100096xf32, #tpu.memory_space<hbm>>) target(%dma_start3A_12 : memref<128xf32, #tpu.memory_space<vmem>>) offsets(%dma_start3A_15 : memref<128xi32, #tpu.memory_space<vmem>>) semaphore(%arg25 : memref<!tpu.dma_semaphore, #tpu.memory_space<semaphore_mem>>)
    %dma_start3A_18 = arith.constant 1 : i32
    %dma_start3A_19 = arith.constant 128 : i32
    %dma_start3A_20 = tpu.memref_slice %arg17[%dma_start3A_19] : memref<512xf32, #tpu.memory_space<vmem>> -> memref<128xf32, #tpu.memory_space<vmem>>
    %dma_start3A_21 = arith.constant 0 : i32
    %dma_start3A_22 = tpu.memref_slice %arg12[%dma_start3A_18, %dma_start3A_21] : memref<4x128xi32, #tpu.memory_space<vmem>> -> memref<1x128xi32, #tpu.memory_space<vmem>>
    %dma_start3A_23 = tpu.memref_squeeze %dma_start3A_22 : memref<1x128xi32, #tpu.memory_space<vmem>> -> memref<128xi32, #tpu.memory_space<vmem>>
    %dma_start3A_24 = arith.constant 0 : i32
    %dma_start3A_25 = tpu.memref_slice %arg6[%dma_start3A_24] : memref<100096xf32, #tpu.memory_space<hbm>> -> memref<100096xf32, #tpu.memory_space<hbm>>
    tpu.enqueue_indirect_dma source(%dma_start3A_25 : memref<100096xf32, #tpu.memory_space<hbm>>) target(%dma_start3A_20 : memref<128xf32, #tpu.memory_space<vmem>>) offsets(%dma_start3A_23 : memref<128xi32, #tpu.memory_space<vmem>>) semaphore(%arg25 : memref<!tpu.dma_semaphore, #tpu.memory_space<semaphore_mem>>)
    %dma_start3A_26 = arith.constant 1 : i32
    %dma_start3A_27 = arith.constant 128 : i32
    %dma_start3A_28 = tpu.memref_slice %arg18[%dma_start3A_27] : memref<512xf32, #tpu.memory_space<vmem>> -> memref<128xf32, #tpu.memory_space<vmem>>
    %dma_start3A_29 = arith.constant 0 : i32
    %dma_start3A_30 = tpu.memref_slice %arg13[%dma_start3A_26, %dma_start3A_29] : memref<4x128xi32, #tpu.memory_space<vmem>> -> memref<1x128xi32, #tpu.memory_space<vmem>>
    %dma_start3A_31 = tpu.memref_squeeze %dma_start3A_30 : memref<1x128xi32, #tpu.memory_space<vmem>> -> memref<128xi32, #tpu.memory_space<vmem>>
    %dma_start3A_32 = arith.constant 0 : i32
    %dma_start3A_33 = tpu.memref_slice %arg7[%dma_start3A_32] : memref<100096xf32, #tpu.memory_space<hbm>> -> memref<100096xf32, #tpu.memory_space<hbm>>
    tpu.enqueue_indirect_dma source(%dma_start3A_33 : memref<100096xf32, #tpu.memory_space<hbm>>) target(%dma_start3A_28 : memref<128xf32, #tpu.memory_space<vmem>>) offsets(%dma_start3A_31 : memref<128xi32, #tpu.memory_space<vmem>>) semaphore(%arg25 : memref<!tpu.dma_semaphore, #tpu.memory_space<semaphore_mem>>)
    %dma_start3A_34 = arith.constant 2 : i32
    %dma_start3A_35 = arith.constant 256 : i32
    %dma_start3A_36 = tpu.memref_slice %arg17[%dma_start3A_35] : memref<512xf32, #tpu.memory_space<vmem>> -> memref<128xf32, #tpu.memory_space<vmem>>
    %dma_start3A_37 = arith.constant 0 : i32
    %dma_start3A_38 = tpu.memref_slice %arg12[%dma_start3A_34, %dma_start3A_37] : memref<4x128xi32, #tpu.memory_space<vmem>> -> memref<1x128xi32, #tpu.memory_space<vmem>>
    %dma_start3A_39 = tpu.memref_squeeze %dma_start3A_38 : memref<1x128xi32, #tpu.memory_space<vmem>> -> memref<128xi32, #tpu.memory_space<vmem>>
    %dma_start3A_40 = arith.constant 0 : i32
    %dma_start3A_41 = tpu.memref_slice %arg6[%dma_start3A_40] : memref<100096xf32, #tpu.memory_space<hbm>> -> memref<100096xf32, #tpu.memory_space<hbm>>
    tpu.enqueue_indirect_dma source(%dma_start3A_41 : memref<100096xf32, #tpu.memory_space<hbm>>) target(%dma_start3A_36 : memref<128xf32, #tpu.memory_space<vmem>>) offsets(%dma_start3A_39 : memref<128xi32, #tpu.memory_space<vmem>>) semaphore(%arg25 : memref<!tpu.dma_semaphore, #tpu.memory_space<semaphore_mem>>)
    %dma_start3A_42 = arith.constant 2 : i32
    %dma_start3A_43 = arith.constant 256 : i32
    %dma_start3A_44 = tpu.memref_slice %arg18[%dma_start3A_43] : memref<512xf32, #tpu.memory_space<vmem>> -> memref<128xf32, #tpu.memory_space<vmem>>
    %dma_start3A_45 = arith.constant 0 : i32
    %dma_start3A_46 = tpu.memref_slice %arg13[%dma_start3A_42, %dma_start3A_45] : memref<4x128xi32, #tpu.memory_space<vmem>> -> memref<1x128xi32, #tpu.memory_space<vmem>>
    %dma_start3A_47 = tpu.memref_squeeze %dma_start3A_46 : memref<1x128xi32, #tpu.memory_space<vmem>> -> memref<128xi32, #tpu.memory_space<vmem>>
    %dma_start3A_48 = arith.constant 0 : i32
    %dma_start3A_49 = tpu.memref_slice %arg7[%dma_start3A_48] : memref<100096xf32, #tpu.memory_space<hbm>> -> memref<100096xf32, #tpu.memory_space<hbm>>
    tpu.enqueue_indirect_dma source(%dma_start3A_49 : memref<100096xf32, #tpu.memory_space<hbm>>) target(%dma_start3A_44 : memref<128xf32, #tpu.memory_space<vmem>>) offsets(%dma_start3A_47 : memref<128xi32, #tpu.memory_space<vmem>>) semaphore(%arg25 : memref<!tpu.dma_semaphore, #tpu.memory_space<semaphore_mem>>)
    %dma_start3A_50 = arith.constant 3 : i32
    %dma_start3A_51 = arith.constant 384 : i32
    %dma_start3A_52 = tpu.memref_slice %arg17[%dma_start3A_51] : memref<512xf32, #tpu.memory_space<vmem>> -> memref<128xf32, #tpu.memory_space<vmem>>
    %dma_start3A_53 = arith.constant 0 : i32
    %dma_start3A_54 = tpu.memref_slice %arg12[%dma_start3A_50, %dma_start3A_53] : memref<4x128xi32, #tpu.memory_space<vmem>> -> memref<1x128xi32, #tpu.memory_space<vmem>>
    %dma_start3A_55 = tpu.memref_squeeze %dma_start3A_54 : memref<1x128xi32, #tpu.memory_space<vmem>> -> memref<128xi32, #tpu.memory_space<vmem>>
    %dma_start3A_56 = arith.constant 0 : i32
    %dma_start3A_57 = tpu.memref_slice %arg6[%dma_start3A_56] : memref<100096xf32, #tpu.memory_space<hbm>> -> memref<100096xf32, #tpu.memory_space<hbm>>
    tpu.enqueue_indirect_dma source(%dma_start3A_57 : memref<100096xf32, #tpu.memory_space<hbm>>) target(%dma_start3A_52 : memref<128xf32, #tpu.memory_space<vmem>>) offsets(%dma_start3A_55 : memref<128xi32, #tpu.memory_space<vmem>>) semaphore(%arg25 : memref<!tpu.dma_semaphore, #tpu.memory_space<semaphore_mem>>)
    %dma_start3A_58 = arith.constant 3 : i32
    %dma_start3A_59 = arith.constant 384 : i32
    %dma_start3A_60 = tpu.memref_slice %arg18[%dma_start3A_59] : memref<512xf32, #tpu.memory_space<vmem>> -> memref<128xf32, #tpu.memory_space<vmem>>
    %dma_start3A_61 = arith.constant 0 : i32
    %dma_start3A_62 = tpu.memref_slice %arg13[%dma_start3A_58, %dma_start3A_61] : memref<4x128xi32, #tpu.memory_space<vmem>> -> memref<1x128xi32, #tpu.memory_space<vmem>>
    %dma_start3A_63 = tpu.memref_squeeze %dma_start3A_62 : memref<1x128xi32, #tpu.memory_space<vmem>> -> memref<128xi32, #tpu.memory_space<vmem>>
    %dma_start3A_64 = arith.constant 0 : i32
    %dma_start3A_65 = tpu.memref_slice %arg7[%dma_start3A_64] : memref<100096xf32, #tpu.memory_space<hbm>> -> memref<100096xf32, #tpu.memory_space<hbm>>
    tpu.enqueue_indirect_dma source(%dma_start3A_65 : memref<100096xf32, #tpu.memory_space<hbm>>) target(%dma_start3A_60 : memref<128xf32, #tpu.memory_space<vmem>>) offsets(%dma_start3A_63 : memref<128xi32, #tpu.memory_space<vmem>>) semaphore(%arg25 : memref<!tpu.dma_semaphore, #tpu.memory_space<semaphore_mem>>)
    %dma_start3A_66 = arith.constant 0 : i32
    %dma_start3A_67 = arith.constant 0 : i32
    %dma_start3A_68 = tpu.memref_slice %arg12[%dma_start3A_66, %dma_start3A_67] : memref<4x128xi32, #tpu.memory_space<vmem>> -> memref<1x128xi32, #tpu.memory_space<vmem>>
    %dma_start3A_69 = tpu.memref_squeeze %dma_start3A_68 : memref<1x128xi32, #tpu.memory_space<vmem>> -> memref<128xi32, #tpu.memory_space<vmem>>
    %dma_start3A_70 = arith.constant 0 : i32
    %dma_start3A_71 = arith.constant 0 : i32
    %dma_start3A_72 = tpu.memref_slice %arg4[%dma_start3A_70, %dma_start3A_71] : memref<100000x128xf32, #tpu.memory_space<hbm>> -> memref<100000x128xf32, #tpu.memory_space<hbm>>
    tpu.enqueue_indirect_dma source(%dma_start3A_72 : memref<100000x128xf32, #tpu.memory_space<hbm>>) target(%arg14 : memref<128x128xf32, #tpu.memory_space<vmem>>) offsets(%dma_start3A_69 : memref<128xi32, #tpu.memory_space<vmem>>) semaphore(%arg19 : memref<!tpu.dma_semaphore, #tpu.memory_space<semaphore_mem>>)
    %dma_start3A_73 = arith.constant 1 : i32
    %dma_start3A_74 = arith.constant 0 : i32
    %dma_start3A_75 = tpu.memref_slice %arg12[%dma_start3A_73, %dma_start3A_74] : memref<4x128xi32, #tpu.memory_space<vmem>> -> memref<1x128xi32, #tpu.memory_space<vmem>>
    %dma_start3A_76 = tpu.memref_squeeze %dma_start3A_75 : memref<1x128xi32, #tpu.memory_space<vmem>> -> memref<128xi32, #tpu.memory_space<vmem>>
    %dma_start3A_77 = arith.constant 0 : i32
    %dma_start3A_78 = arith.constant 0 : i32
    %dma_start3A_79 = tpu.memref_slice %arg4[%dma_start3A_77, %dma_start3A_78] : memref<100000x128xf32, #tpu.memory_space<hbm>> -> memref<100000x128xf32, #tpu.memory_space<hbm>>
    tpu.enqueue_indirect_dma source(%dma_start3A_79 : memref<100000x128xf32, #tpu.memory_space<hbm>>) target(%arg15 : memref<128x128xf32, #tpu.memory_space<vmem>>) offsets(%dma_start3A_76 : memref<128xi32, #tpu.memory_space<vmem>>) semaphore(%arg20 : memref<!tpu.dma_semaphore, #tpu.memory_space<semaphore_mem>>)
    %dma_start3A_80 = arith.constant 2 : i32
    %dma_start3A_81 = arith.constant 0 : i32
    %dma_start3A_82 = tpu.memref_slice %arg12[%dma_start3A_80, %dma_start3A_81] : memref<4x128xi32, #tpu.memory_space<vmem>> -> memref<1x128xi32, #tpu.memory_space<vmem>>
    %dma_start3A_83 = tpu.memref_squeeze %dma_start3A_82 : memref<1x128xi32, #tpu.memory_space<vmem>> -> memref<128xi32, #tpu.memory_space<vmem>>
    %dma_start3A_84 = arith.constant 0 : i32
    %dma_start3A_85 = arith.constant 0 : i32
    %dma_start3A_86 = tpu.memref_slice %arg4[%dma_start3A_84, %dma_start3A_85] : memref<100000x128xf32, #tpu.memory_space<hbm>> -> memref<100000x128xf32, #tpu.memory_space<hbm>>
    tpu.enqueue_indirect_dma source(%dma_start3A_86 : memref<100000x128xf32, #tpu.memory_space<hbm>>) target(%arg16 : memref<128x128xf32, #tpu.memory_space<vmem>>) offsets(%dma_start3A_83 : memref<128xi32, #tpu.memory_space<vmem>>) semaphore(%arg21 : memref<!tpu.dma_semaphore, #tpu.memory_space<semaphore_mem>>)
    %dma_wait3A = arith.constant 0 : i32
    %dma_wait3A_87 = arith.constant 0 : i32
    %dma_wait3A_88 = tpu.memref_slice %arg12[%dma_wait3A, %dma_wait3A_87] : memref<4x128xi32, #tpu.memory_space<vmem>> -> memref<1x128xi32, #tpu.memory_space<vmem>>
    %dma_wait3A_89 = tpu.memref_squeeze %dma_wait3A_88 : memref<1x128xi32, #tpu.memory_space<vmem>> -> memref<128xi32, #tpu.memory_space<vmem>>
    %dma_wait3A_90 = arith.constant 0 : i32
    %dma_wait3A_91 = arith.constant 0 : i32
    %dma_wait3A_92 = tpu.memref_slice %arg4[%dma_wait3A_90, %dma_wait3A_91] : memref<100000x128xf32, #tpu.memory_space<hbm>> -> memref<100000x128xf32, #tpu.memory_space<hbm>>
    tpu.wait_indirect_dma semaphore(%arg19 : memref<!tpu.dma_semaphore, #tpu.memory_space<semaphore_mem>>) src(%dma_wait3A_92 : memref<100000x128xf32, #tpu.memory_space<hbm>>) dst(%arg14 : memref<128x128xf32, #tpu.memory_space<vmem>>)
    %add3A_93 = arith.constant 0 : i32
    %add3A_94 = arith.addi %mul3A_2, %add3A_93 : i32
    %dma_start3A_95 = arith.constant 0 : i32
    %dma_start3A_96 = tpu.memref_slice %arg8[%add3A_94, %dma_start3A_95] : memref<16384x128xf32, #tpu.memory_space<hbm>> -> memref<128x128xf32, #tpu.memory_space<hbm>>
    %dma_start3A_97 = arith.constant 0 : i32
    %dma_start3A_98 = tpu.memref_slice %arg8[%add3A_94, %dma_start3A_97] : memref<16384x128xf32, #tpu.memory_space<hbm>> -> memref<128x128xf32, #tpu.memory_space<hbm>>
    tpu.enqueue_dma source(%arg14 : memref<128x128xf32, #tpu.memory_space<vmem>>) target(%dma_start3A_98 : memref<128x128xf32, #tpu.memory_space<hbm>>) target_semaphore(%arg22 : memref<!tpu.dma_semaphore, #tpu.memory_space<semaphore_mem>>)
    %dma_wait3A_99 = arith.constant 0 : i32
    %dma_wait3A_100 = tpu.memref_slice %arg8[%add3A_94, %dma_wait3A_99] : memref<16384x128xf32, #tpu.memory_space<hbm>> -> memref<128x128xf32, #tpu.memory_space<hbm>>
    %dma_wait3A_101 = arith.constant 0 : i32
    %dma_wait3A_102 = tpu.memref_slice %arg8[%add3A_94, %dma_wait3A_101] : memref<16384x128xf32, #tpu.memory_space<hbm>> -> memref<128x128xf32, #tpu.memory_space<hbm>>
    tpu.wait_dma2 semaphore(%arg22 : memref<!tpu.dma_semaphore, #tpu.memory_space<semaphore_mem>>) src(%arg14 : memref<128x128xf32, #tpu.memory_space<vmem>>) dst(%dma_wait3A_102 : memref<128x128xf32, #tpu.memory_space<hbm>>)
    %dma_start3A_103 = arith.constant 3 : i32
    %dma_start3A_104 = arith.constant 0 : i32
    %dma_start3A_105 = tpu.memref_slice %arg12[%dma_start3A_103, %dma_start3A_104] : memref<4x128xi32, #tpu.memory_space<vmem>> -> memref<1x128xi32, #tpu.memory_space<vmem>>
    %dma_start3A_106 = tpu.memref_squeeze %dma_start3A_105 : memref<1x128xi32, #tpu.memory_space<vmem>> -> memref<128xi32, #tpu.memory_space<vmem>>
    %dma_start3A_107 = arith.constant 0 : i32
    %dma_start3A_108 = arith.constant 0 : i32
    %dma_start3A_109 = tpu.memref_slice %arg4[%dma_start3A_107, %dma_start3A_108] : memref<100000x128xf32, #tpu.memory_space<hbm>> -> memref<100000x128xf32, #tpu.memory_space<hbm>>
    tpu.enqueue_indirect_dma source(%dma_start3A_109 : memref<100000x128xf32, #tpu.memory_space<hbm>>) target(%arg14 : memref<128x128xf32, #tpu.memory_space<vmem>>) offsets(%dma_start3A_106 : memref<128xi32, #tpu.memory_space<vmem>>) semaphore(%arg19 : memref<!tpu.dma_semaphore, #tpu.memory_space<semaphore_mem>>)
    %dma_wait3A_110 = arith.constant 1 : i32
    %dma_wait3A_111 = arith.constant 0 : i32
    %dma_wait3A_112 = tpu.memref_slice %arg12[%dma_wait3A_110, %dma_wait3A_111] : memref<4x128xi32, #tpu.memory_space<vmem>> -> memref<1x128xi32, #tpu.memory_space<vmem>>
    %dma_wait3A_113 = tpu.memref_squeeze %dma_wait3A_112 : memref<1x128xi32, #tpu.memory_space<vmem>> -> memref<128xi32, #tpu.memory_space<vmem>>
    %dma_wait3A_114 = arith.constant 0 : i32
    %dma_wait3A_115 = arith.constant 0 : i32
    %dma_wait3A_116 = tpu.memref_slice %arg4[%dma_wait3A_114, %dma_wait3A_115] : memref<100000x128xf32, #tpu.memory_space<hbm>> -> memref<100000x128xf32, #tpu.memory_space<hbm>>
    tpu.wait_indirect_dma semaphore(%arg20 : memref<!tpu.dma_semaphore, #tpu.memory_space<semaphore_mem>>) src(%dma_wait3A_116 : memref<100000x128xf32, #tpu.memory_space<hbm>>) dst(%arg15 : memref<128x128xf32, #tpu.memory_space<vmem>>)
    %add3A_117 = arith.constant 128 : i32
    %add3A_118 = arith.addi %mul3A_2, %add3A_117 : i32
    %dma_start3A_119 = arith.constant 0 : i32
    %dma_start3A_120 = tpu.memref_slice %arg8[%add3A_118, %dma_start3A_119] : memref<16384x128xf32, #tpu.memory_space<hbm>> -> memref<128x128xf32, #tpu.memory_space<hbm>>
    %dma_start3A_121 = arith.constant 0 : i32
    %dma_start3A_122 = tpu.memref_slice %arg8[%add3A_118, %dma_start3A_121] : memref<16384x128xf32, #tpu.memory_space<hbm>> -> memref<128x128xf32, #tpu.memory_space<hbm>>
    tpu.enqueue_dma source(%arg15 : memref<128x128xf32, #tpu.memory_space<vmem>>) target(%dma_start3A_122 : memref<128x128xf32, #tpu.memory_space<hbm>>) target_semaphore(%arg23 : memref<!tpu.dma_semaphore, #tpu.memory_space<semaphore_mem>>)
    %dma_wait3A_123 = arith.constant 0 : i32
    %dma_wait3A_124 = tpu.memref_slice %arg8[%add3A_118, %dma_wait3A_123] : memref<16384x128xf32, #tpu.memory_space<hbm>> -> memref<128x128xf32, #tpu.memory_space<hbm>>
    %dma_wait3A_125 = arith.constant 0 : i32
    %dma_wait3A_126 = tpu.memref_slice %arg8[%add3A_118, %dma_wait3A_125] : memref<16384x128xf32, #tpu.memory_space<hbm>> -> memref<128x128xf32, #tpu.memory_space<hbm>>
    tpu.wait_dma2 semaphore(%arg23 : memref<!tpu.dma_semaphore, #tpu.memory_space<semaphore_mem>>) src(%arg15 : memref<128x128xf32, #tpu.memory_space<vmem>>) dst(%dma_wait3A_126 : memref<128x128xf32, #tpu.memory_space<hbm>>)
    %dma_start3A_127 = arith.constant 0 : i32
    %dma_start3A_128 = arith.constant 0 : i32
    %dma_start3A_129 = tpu.memref_slice %arg13[%dma_start3A_127, %dma_start3A_128] : memref<4x128xi32, #tpu.memory_space<vmem>> -> memref<1x128xi32, #tpu.memory_space<vmem>>
    %dma_start3A_130 = tpu.memref_squeeze %dma_start3A_129 : memref<1x128xi32, #tpu.memory_space<vmem>> -> memref<128xi32, #tpu.memory_space<vmem>>
    %dma_start3A_131 = arith.constant 0 : i32
    %dma_start3A_132 = arith.constant 0 : i32
    %dma_start3A_133 = tpu.memref_slice %arg5[%dma_start3A_131, %dma_start3A_132] : memref<100000x128xf32, #tpu.memory_space<hbm>> -> memref<100000x128xf32, #tpu.memory_space<hbm>>
    tpu.enqueue_indirect_dma source(%dma_start3A_133 : memref<100000x128xf32, #tpu.memory_space<hbm>>) target(%arg15 : memref<128x128xf32, #tpu.memory_space<vmem>>) offsets(%dma_start3A_130 : memref<128xi32, #tpu.memory_space<vmem>>) semaphore(%arg20 : memref<!tpu.dma_semaphore, #tpu.memory_space<semaphore_mem>>)
    %dma_wait3A_134 = arith.constant 2 : i32
    %dma_wait3A_135 = arith.constant 0 : i32
    %dma_wait3A_136 = tpu.memref_slice %arg12[%dma_wait3A_134, %dma_wait3A_135] : memref<4x128xi32, #tpu.memory_space<vmem>> -> memref<1x128xi32, #tpu.memory_space<vmem>>
    %dma_wait3A_137 = tpu.memref_squeeze %dma_wait3A_136 : memref<1x128xi32, #tpu.memory_space<vmem>> -> memref<128xi32, #tpu.memory_space<vmem>>
    %dma_wait3A_138 = arith.constant 0 : i32
    %dma_wait3A_139 = arith.constant 0 : i32
    %dma_wait3A_140 = tpu.memref_slice %arg4[%dma_wait3A_138, %dma_wait3A_139] : memref<100000x128xf32, #tpu.memory_space<hbm>> -> memref<100000x128xf32, #tpu.memory_space<hbm>>
    tpu.wait_indirect_dma semaphore(%arg21 : memref<!tpu.dma_semaphore, #tpu.memory_space<semaphore_mem>>) src(%dma_wait3A_140 : memref<100000x128xf32, #tpu.memory_space<hbm>>) dst(%arg16 : memref<128x128xf32, #tpu.memory_space<vmem>>)
    %add3A_141 = arith.constant 256 : i32
    %add3A_142 = arith.addi %mul3A_2, %add3A_141 : i32
    %dma_start3A_143 = arith.constant 0 : i32
    %dma_start3A_144 = tpu.memref_slice %arg8[%add3A_142, %dma_start3A_143] : memref<16384x128xf32, #tpu.memory_space<hbm>> -> memref<128x128xf32, #tpu.memory_space<hbm>>
    %dma_start3A_145 = arith.constant 0 : i32
    %dma_start3A_146 = tpu.memref_slice %arg8[%add3A_142, %dma_start3A_145] : memref<16384x128xf32, #tpu.memory_space<hbm>> -> memref<128x128xf32, #tpu.memory_space<hbm>>
    tpu.enqueue_dma source(%arg16 : memref<128x128xf32, #tpu.memory_space<vmem>>) target(%dma_start3A_146 : memref<128x128xf32, #tpu.memory_space<hbm>>) target_semaphore(%arg24 : memref<!tpu.dma_semaphore, #tpu.memory_space<semaphore_mem>>)
    %dma_wait3A_147 = arith.constant 0 : i32
    %dma_wait3A_148 = tpu.memref_slice %arg8[%add3A_142, %dma_wait3A_147] : memref<16384x128xf32, #tpu.memory_space<hbm>> -> memref<128x128xf32, #tpu.memory_space<hbm>>
    %dma_wait3A_149 = arith.constant 0 : i32
    %dma_wait3A_150 = tpu.memref_slice %arg8[%add3A_142, %dma_wait3A_149] : memref<16384x128xf32, #tpu.memory_space<hbm>> -> memref<128x128xf32, #tpu.memory_space<hbm>>
    tpu.wait_dma2 semaphore(%arg24 : memref<!tpu.dma_semaphore, #tpu.memory_space<semaphore_mem>>) src(%arg16 : memref<128x128xf32, #tpu.memory_space<vmem>>) dst(%dma_wait3A_150 : memref<128x128xf32, #tpu.memory_space<hbm>>)
    %dma_start3A_151 = arith.constant 1 : i32
    %dma_start3A_152 = arith.constant 0 : i32
    %dma_start3A_153 = tpu.memref_slice %arg13[%dma_start3A_151, %dma_start3A_152] : memref<4x128xi32, #tpu.memory_space<vmem>> -> memref<1x128xi32, #tpu.memory_space<vmem>>
    %dma_start3A_154 = tpu.memref_squeeze %dma_start3A_153 : memref<1x128xi32, #tpu.memory_space<vmem>> -> memref<128xi32, #tpu.memory_space<vmem>>
    %dma_start3A_155 = arith.constant 0 : i32
    %dma_start3A_156 = arith.constant 0 : i32
    %dma_start3A_157 = tpu.memref_slice %arg5[%dma_start3A_155, %dma_start3A_156] : memref<100000x128xf32, #tpu.memory_space<hbm>> -> memref<100000x128xf32, #tpu.memory_space<hbm>>
    tpu.enqueue_indirect_dma source(%dma_start3A_157 : memref<100000x128xf32, #tpu.memory_space<hbm>>) target(%arg16 : memref<128x128xf32, #tpu.memory_space<vmem>>) offsets(%dma_start3A_154 : memref<128xi32, #tpu.memory_space<vmem>>) semaphore(%arg21 : memref<!tpu.dma_semaphore, #tpu.memory_space<semaphore_mem>>)
    %dma_wait3A_158 = arith.constant 3 : i32
    %dma_wait3A_159 = arith.constant 0 : i32
    %dma_wait3A_160 = tpu.memref_slice %arg12[%dma_wait3A_158, %dma_wait3A_159] : memref<4x128xi32, #tpu.memory_space<vmem>> -> memref<1x128xi32, #tpu.memory_space<vmem>>
    %dma_wait3A_161 = tpu.memref_squeeze %dma_wait3A_160 : memref<1x128xi32, #tpu.memory_space<vmem>> -> memref<128xi32, #tpu.memory_space<vmem>>
    %dma_wait3A_162 = arith.constant 0 : i32
    %dma_wait3A_163 = arith.constant 0 : i32
    %dma_wait3A_164 = tpu.memref_slice %arg4[%dma_wait3A_162, %dma_wait3A_163] : memref<100000x128xf32, #tpu.memory_space<hbm>> -> memref<100000x128xf32, #tpu.memory_space<hbm>>
    tpu.wait_indirect_dma semaphore(%arg19 : memref<!tpu.dma_semaphore, #tpu.memory_space<semaphore_mem>>) src(%dma_wait3A_164 : memref<100000x128xf32, #tpu.memory_space<hbm>>) dst(%arg14 : memref<128x128xf32, #tpu.memory_space<vmem>>)
    %add3A_165 = arith.constant 384 : i32
    %add3A_166 = arith.addi %mul3A_2, %add3A_165 : i32
    %dma_start3A_167 = arith.constant 0 : i32
    %dma_start3A_168 = tpu.memref_slice %arg8[%add3A_166, %dma_start3A_167] : memref<16384x128xf32, #tpu.memory_space<hbm>> -> memref<128x128xf32, #tpu.memory_space<hbm>>
    %dma_start3A_169 = arith.constant 0 : i32
    %dma_start3A_170 = tpu.memref_slice %arg8[%add3A_166, %dma_start3A_169] : memref<16384x128xf32, #tpu.memory_space<hbm>> -> memref<128x128xf32, #tpu.memory_space<hbm>>
    tpu.enqueue_dma source(%arg14 : memref<128x128xf32, #tpu.memory_space<vmem>>) target(%dma_start3A_170 : memref<128x128xf32, #tpu.memory_space<hbm>>) target_semaphore(%arg22 : memref<!tpu.dma_semaphore, #tpu.memory_space<semaphore_mem>>)
    %dma_wait3A_171 = arith.constant 0 : i32
    %dma_wait3A_172 = tpu.memref_slice %arg8[%add3A_166, %dma_wait3A_171] : memref<16384x128xf32, #tpu.memory_space<hbm>> -> memref<128x128xf32, #tpu.memory_space<hbm>>
    %dma_wait3A_173 = arith.constant 0 : i32
    %dma_wait3A_174 = tpu.memref_slice %arg8[%add3A_166, %dma_wait3A_173] : memref<16384x128xf32, #tpu.memory_space<hbm>> -> memref<128x128xf32, #tpu.memory_space<hbm>>
    tpu.wait_dma2 semaphore(%arg22 : memref<!tpu.dma_semaphore, #tpu.memory_space<semaphore_mem>>) src(%arg14 : memref<128x128xf32, #tpu.memory_space<vmem>>) dst(%dma_wait3A_174 : memref<128x128xf32, #tpu.memory_space<hbm>>)
    %dma_start3A_175 = arith.constant 2 : i32
    %dma_start3A_176 = arith.constant 0 : i32
    %dma_start3A_177 = tpu.memref_slice %arg13[%dma_start3A_175, %dma_start3A_176] : memref<4x128xi32, #tpu.memory_space<vmem>> -> memref<1x128xi32, #tpu.memory_space<vmem>>
    %dma_start3A_178 = tpu.memref_squeeze %dma_start3A_177 : memref<1x128xi32, #tpu.memory_space<vmem>> -> memref<128xi32, #tpu.memory_space<vmem>>
    %dma_start3A_179 = arith.constant 0 : i32
    %dma_start3A_180 = arith.constant 0 : i32
    %dma_start3A_181 = tpu.memref_slice %arg5[%dma_start3A_179, %dma_start3A_180] : memref<100000x128xf32, #tpu.memory_space<hbm>> -> memref<100000x128xf32, #tpu.memory_space<hbm>>
    tpu.enqueue_indirect_dma source(%dma_start3A_181 : memref<100000x128xf32, #tpu.memory_space<hbm>>) target(%arg14 : memref<128x128xf32, #tpu.memory_space<vmem>>) offsets(%dma_start3A_178 : memref<128xi32, #tpu.memory_space<vmem>>) semaphore(%arg19 : memref<!tpu.dma_semaphore, #tpu.memory_space<semaphore_mem>>)
    %dma_wait3A_182 = arith.constant 0 : i32
    %dma_wait3A_183 = arith.constant 0 : i32
    %dma_wait3A_184 = tpu.memref_slice %arg13[%dma_wait3A_182, %dma_wait3A_183] : memref<4x128xi32, #tpu.memory_space<vmem>> -> memref<1x128xi32, #tpu.memory_space<vmem>>
    %dma_wait3A_185 = tpu.memref_squeeze %dma_wait3A_184 : memref<1x128xi32, #tpu.memory_space<vmem>> -> memref<128xi32, #tpu.memory_space<vmem>>
    %dma_wait3A_186 = arith.constant 0 : i32
    %dma_wait3A_187 = arith.constant 0 : i32
    %dma_wait3A_188 = tpu.memref_slice %arg5[%dma_wait3A_186, %dma_wait3A_187] : memref<100000x128xf32, #tpu.memory_space<hbm>> -> memref<100000x128xf32, #tpu.memory_space<hbm>>
    tpu.wait_indirect_dma semaphore(%arg20 : memref<!tpu.dma_semaphore, #tpu.memory_space<semaphore_mem>>) src(%dma_wait3A_188 : memref<100000x128xf32, #tpu.memory_space<hbm>>) dst(%arg15 : memref<128x128xf32, #tpu.memory_space<vmem>>)
    %add3A_189 = arith.constant 0 : i32
    %add3A_190 = arith.addi %mul3A_2, %add3A_189 : i32
    %dma_start3A_191 = arith.constant 0 : i32
    %dma_start3A_192 = tpu.memref_slice %arg9[%add3A_190, %dma_start3A_191] : memref<16384x128xf32, #tpu.memory_space<hbm>> -> memref<128x128xf32, #tpu.memory_space<hbm>>
    %dma_start3A_193 = arith.constant 0 : i32
    %dma_start3A_194 = tpu.memref_slice %arg9[%add3A_190, %dma_start3A_193] : memref<16384x128xf32, #tpu.memory_space<hbm>> -> memref<128x128xf32, #tpu.memory_space<hbm>>
    tpu.enqueue_dma source(%arg15 : memref<128x128xf32, #tpu.memory_space<vmem>>) target(%dma_start3A_194 : memref<128x128xf32, #tpu.memory_space<hbm>>) target_semaphore(%arg23 : memref<!tpu.dma_semaphore, #tpu.memory_space<semaphore_mem>>)
    %dma_wait3A_195 = arith.constant 0 : i32
    %dma_wait3A_196 = tpu.memref_slice %arg9[%add3A_190, %dma_wait3A_195] : memref<16384x128xf32, #tpu.memory_space<hbm>> -> memref<128x128xf32, #tpu.memory_space<hbm>>
    %dma_wait3A_197 = arith.constant 0 : i32
    %dma_wait3A_198 = tpu.memref_slice %arg9[%add3A_190, %dma_wait3A_197] : memref<16384x128xf32, #tpu.memory_space<hbm>> -> memref<128x128xf32, #tpu.memory_space<hbm>>
    tpu.wait_dma2 semaphore(%arg23 : memref<!tpu.dma_semaphore, #tpu.memory_space<semaphore_mem>>) src(%arg15 : memref<128x128xf32, #tpu.memory_space<vmem>>) dst(%dma_wait3A_198 : memref<128x128xf32, #tpu.memory_space<hbm>>)
    %dma_start3A_199 = arith.constant 3 : i32
    %dma_start3A_200 = arith.constant 0 : i32
    %dma_start3A_201 = tpu.memref_slice %arg13[%dma_start3A_199, %dma_start3A_200] : memref<4x128xi32, #tpu.memory_space<vmem>> -> memref<1x128xi32, #tpu.memory_space<vmem>>
    %dma_start3A_202 = tpu.memref_squeeze %dma_start3A_201 : memref<1x128xi32, #tpu.memory_space<vmem>> -> memref<128xi32, #tpu.memory_space<vmem>>
    %dma_start3A_203 = arith.constant 0 : i32
    %dma_start3A_204 = arith.constant 0 : i32
    %dma_start3A_205 = tpu.memref_slice %arg5[%dma_start3A_203, %dma_start3A_204] : memref<100000x128xf32, #tpu.memory_space<hbm>> -> memref<100000x128xf32, #tpu.memory_space<hbm>>
    tpu.enqueue_indirect_dma source(%dma_start3A_205 : memref<100000x128xf32, #tpu.memory_space<hbm>>) target(%arg15 : memref<128x128xf32, #tpu.memory_space<vmem>>) offsets(%dma_start3A_202 : memref<128xi32, #tpu.memory_space<vmem>>) semaphore(%arg20 : memref<!tpu.dma_semaphore, #tpu.memory_space<semaphore_mem>>)
    %dma_wait3A_206 = arith.constant 1 : i32
    %dma_wait3A_207 = arith.constant 0 : i32
    %dma_wait3A_208 = tpu.memref_slice %arg13[%dma_wait3A_206, %dma_wait3A_207] : memref<4x128xi32, #tpu.memory_space<vmem>> -> memref<1x128xi32, #tpu.memory_space<vmem>>
    %dma_wait3A_209 = tpu.memref_squeeze %dma_wait3A_208 : memref<1x128xi32, #tpu.memory_space<vmem>> -> memref<128xi32, #tpu.memory_space<vmem>>
    %dma_wait3A_210 = arith.constant 0 : i32
    %dma_wait3A_211 = arith.constant 0 : i32
    %dma_wait3A_212 = tpu.memref_slice %arg5[%dma_wait3A_210, %dma_wait3A_211] : memref<100000x128xf32, #tpu.memory_space<hbm>> -> memref<100000x128xf32, #tpu.memory_space<hbm>>
    tpu.wait_indirect_dma semaphore(%arg21 : memref<!tpu.dma_semaphore, #tpu.memory_space<semaphore_mem>>) src(%dma_wait3A_212 : memref<100000x128xf32, #tpu.memory_space<hbm>>) dst(%arg16 : memref<128x128xf32, #tpu.memory_space<vmem>>)
    %add3A_213 = arith.constant 128 : i32
    %add3A_214 = arith.addi %mul3A_2, %add3A_213 : i32
    %dma_start3A_215 = arith.constant 0 : i32
    %dma_start3A_216 = tpu.memref_slice %arg9[%add3A_214, %dma_start3A_215] : memref<16384x128xf32, #tpu.memory_space<hbm>> -> memref<128x128xf32, #tpu.memory_space<hbm>>
    %dma_start3A_217 = arith.constant 0 : i32
    %dma_start3A_218 = tpu.memref_slice %arg9[%add3A_214, %dma_start3A_217] : memref<16384x128xf32, #tpu.memory_space<hbm>> -> memref<128x128xf32, #tpu.memory_space<hbm>>
    tpu.enqueue_dma source(%arg16 : memref<128x128xf32, #tpu.memory_space<vmem>>) target(%dma_start3A_218 : memref<128x128xf32, #tpu.memory_space<hbm>>) target_semaphore(%arg24 : memref<!tpu.dma_semaphore, #tpu.memory_space<semaphore_mem>>)
    %dma_wait3A_219 = arith.constant 2 : i32
    %dma_wait3A_220 = arith.constant 0 : i32
    %dma_wait3A_221 = tpu.memref_slice %arg13[%dma_wait3A_219, %dma_wait3A_220] : memref<4x128xi32, #tpu.memory_space<vmem>> -> memref<1x128xi32, #tpu.memory_space<vmem>>
    %dma_wait3A_222 = tpu.memref_squeeze %dma_wait3A_221 : memref<1x128xi32, #tpu.memory_space<vmem>> -> memref<128xi32, #tpu.memory_space<vmem>>
    %dma_wait3A_223 = arith.constant 0 : i32
    %dma_wait3A_224 = arith.constant 0 : i32
    %dma_wait3A_225 = tpu.memref_slice %arg5[%dma_wait3A_223, %dma_wait3A_224] : memref<100000x128xf32, #tpu.memory_space<hbm>> -> memref<100000x128xf32, #tpu.memory_space<hbm>>
    tpu.wait_indirect_dma semaphore(%arg19 : memref<!tpu.dma_semaphore, #tpu.memory_space<semaphore_mem>>) src(%dma_wait3A_225 : memref<100000x128xf32, #tpu.memory_space<hbm>>) dst(%arg14 : memref<128x128xf32, #tpu.memory_space<vmem>>)
    %add3A_226 = arith.constant 256 : i32
    %add3A_227 = arith.addi %mul3A_2, %add3A_226 : i32
    %dma_start3A_228 = arith.constant 0 : i32
    %dma_start3A_229 = tpu.memref_slice %arg9[%add3A_227, %dma_start3A_228] : memref<16384x128xf32, #tpu.memory_space<hbm>> -> memref<128x128xf32, #tpu.memory_space<hbm>>
    %dma_start3A_230 = arith.constant 0 : i32
    %dma_start3A_231 = tpu.memref_slice %arg9[%add3A_227, %dma_start3A_230] : memref<16384x128xf32, #tpu.memory_space<hbm>> -> memref<128x128xf32, #tpu.memory_space<hbm>>
    tpu.enqueue_dma source(%arg14 : memref<128x128xf32, #tpu.memory_space<vmem>>) target(%dma_start3A_231 : memref<128x128xf32, #tpu.memory_space<hbm>>) target_semaphore(%arg22 : memref<!tpu.dma_semaphore, #tpu.memory_space<semaphore_mem>>)
    %dma_wait3A_232 = arith.constant 3 : i32
    %dma_wait3A_233 = arith.constant 0 : i32
    %dma_wait3A_234 = tpu.memref_slice %arg13[%dma_wait3A_232, %dma_wait3A_233] : memref<4x128xi32, #tpu.memory_space<vmem>> -> memref<1x128xi32, #tpu.memory_space<vmem>>
    %dma_wait3A_235 = tpu.memref_squeeze %dma_wait3A_234 : memref<1x128xi32, #tpu.memory_space<vmem>> -> memref<128xi32, #tpu.memory_space<vmem>>
    %dma_wait3A_236 = arith.constant 0 : i32
    %dma_wait3A_237 = arith.constant 0 : i32
    %dma_wait3A_238 = tpu.memref_slice %arg5[%dma_wait3A_236, %dma_wait3A_237] : memref<100000x128xf32, #tpu.memory_space<hbm>> -> memref<100000x128xf32, #tpu.memory_space<hbm>>
    tpu.wait_indirect_dma semaphore(%arg20 : memref<!tpu.dma_semaphore, #tpu.memory_space<semaphore_mem>>) src(%dma_wait3A_238 : memref<100000x128xf32, #tpu.memory_space<hbm>>) dst(%arg15 : memref<128x128xf32, #tpu.memory_space<vmem>>)
    %add3A_239 = arith.constant 384 : i32
    %add3A_240 = arith.addi %mul3A_2, %add3A_239 : i32
    %dma_start3A_241 = arith.constant 0 : i32
    %dma_start3A_242 = tpu.memref_slice %arg9[%add3A_240, %dma_start3A_241] : memref<16384x128xf32, #tpu.memory_space<hbm>> -> memref<128x128xf32, #tpu.memory_space<hbm>>
    %dma_start3A_243 = arith.constant 0 : i32
    %dma_start3A_244 = tpu.memref_slice %arg9[%add3A_240, %dma_start3A_243] : memref<16384x128xf32, #tpu.memory_space<hbm>> -> memref<128x128xf32, #tpu.memory_space<hbm>>
    tpu.enqueue_dma source(%arg15 : memref<128x128xf32, #tpu.memory_space<vmem>>) target(%dma_start3A_244 : memref<128x128xf32, #tpu.memory_space<hbm>>) target_semaphore(%arg23 : memref<!tpu.dma_semaphore, #tpu.memory_space<semaphore_mem>>)
    %dma_wait3A_245 = arith.constant 0 : i32
    %dma_wait3A_246 = tpu.memref_slice %arg9[%add3A_214, %dma_wait3A_245] : memref<16384x128xf32, #tpu.memory_space<hbm>> -> memref<128x128xf32, #tpu.memory_space<hbm>>
    %dma_wait3A_247 = arith.constant 0 : i32
    %dma_wait3A_248 = tpu.memref_slice %arg9[%add3A_214, %dma_wait3A_247] : memref<16384x128xf32, #tpu.memory_space<hbm>> -> memref<128x128xf32, #tpu.memory_space<hbm>>
    tpu.wait_dma2 semaphore(%arg24 : memref<!tpu.dma_semaphore, #tpu.memory_space<semaphore_mem>>) src(%arg16 : memref<128x128xf32, #tpu.memory_space<vmem>>) dst(%dma_wait3A_248 : memref<128x128xf32, #tpu.memory_space<hbm>>)
    %dma_wait3A_249 = arith.constant 0 : i32
    %dma_wait3A_250 = tpu.memref_slice %arg9[%add3A_227, %dma_wait3A_249] : memref<16384x128xf32, #tpu.memory_space<hbm>> -> memref<128x128xf32, #tpu.memory_space<hbm>>
    %dma_wait3A_251 = arith.constant 0 : i32
    %dma_wait3A_252 = tpu.memref_slice %arg9[%add3A_227, %dma_wait3A_251] : memref<16384x128xf32, #tpu.memory_space<hbm>> -> memref<128x128xf32, #tpu.memory_space<hbm>>
    tpu.wait_dma2 semaphore(%arg22 : memref<!tpu.dma_semaphore, #tpu.memory_space<semaphore_mem>>) src(%arg14 : memref<128x128xf32, #tpu.memory_space<vmem>>) dst(%dma_wait3A_252 : memref<128x128xf32, #tpu.memory_space<hbm>>)
    %dma_wait3A_253 = arith.constant 0 : i32
    %dma_wait3A_254 = tpu.memref_slice %arg9[%add3A_240, %dma_wait3A_253] : memref<16384x128xf32, #tpu.memory_space<hbm>> -> memref<128x128xf32, #tpu.memory_space<hbm>>
    %dma_wait3A_255 = arith.constant 0 : i32
    %dma_wait3A_256 = tpu.memref_slice %arg9[%add3A_240, %dma_wait3A_255] : memref<16384x128xf32, #tpu.memory_space<hbm>> -> memref<128x128xf32, #tpu.memory_space<hbm>>
    tpu.wait_dma2 semaphore(%arg23 : memref<!tpu.dma_semaphore, #tpu.memory_space<semaphore_mem>>) src(%arg15 : memref<128x128xf32, #tpu.memory_space<vmem>>) dst(%dma_wait3A_256 : memref<128x128xf32, #tpu.memory_space<hbm>>)
    %dma_wait3A_257 = arith.constant 0 : i32
    %dma_wait3A_258 = arith.constant 0 : i32
    %dma_wait3A_259 = tpu.memref_slice %arg17[%dma_wait3A_258] : memref<512xf32, #tpu.memory_space<vmem>> -> memref<128xf32, #tpu.memory_space<vmem>>
    %dma_wait3A_260 = arith.constant 0 : i32
    %dma_wait3A_261 = tpu.memref_slice %arg12[%dma_wait3A_257, %dma_wait3A_260] : memref<4x128xi32, #tpu.memory_space<vmem>> -> memref<1x128xi32, #tpu.memory_space<vmem>>
    %dma_wait3A_262 = tpu.memref_squeeze %dma_wait3A_261 : memref<1x128xi32, #tpu.memory_space<vmem>> -> memref<128xi32, #tpu.memory_space<vmem>>
    %dma_wait3A_263 = arith.constant 0 : i32
    %dma_wait3A_264 = tpu.memref_slice %arg6[%dma_wait3A_263] : memref<100096xf32, #tpu.memory_space<hbm>> -> memref<100096xf32, #tpu.memory_space<hbm>>
    tpu.wait_indirect_dma semaphore(%arg25 : memref<!tpu.dma_semaphore, #tpu.memory_space<semaphore_mem>>) src(%dma_wait3A_264 : memref<100096xf32, #tpu.memory_space<hbm>>) dst(%dma_wait3A_259 : memref<128xf32, #tpu.memory_space<vmem>>)
    %dma_wait3A_265 = arith.constant 0 : i32
    %dma_wait3A_266 = arith.constant 0 : i32
    %dma_wait3A_267 = tpu.memref_slice %arg18[%dma_wait3A_266] : memref<512xf32, #tpu.memory_space<vmem>> -> memref<128xf32, #tpu.memory_space<vmem>>
    %dma_wait3A_268 = arith.constant 0 : i32
    %dma_wait3A_269 = tpu.memref_slice %arg13[%dma_wait3A_265, %dma_wait3A_268] : memref<4x128xi32, #tpu.memory_space<vmem>> -> memref<1x128xi32, #tpu.memory_space<vmem>>
    %dma_wait3A_270 = tpu.memref_squeeze %dma_wait3A_269 : memref<1x128xi32, #tpu.memory_space<vmem>> -> memref<128xi32, #tpu.memory_space<vmem>>
    %dma_wait3A_271 = arith.constant 0 : i32
    %dma_wait3A_272 = tpu.memref_slice %arg7[%dma_wait3A_271] : memref<100096xf32, #tpu.memory_space<hbm>> -> memref<100096xf32, #tpu.memory_space<hbm>>
    tpu.wait_indirect_dma semaphore(%arg25 : memref<!tpu.dma_semaphore, #tpu.memory_space<semaphore_mem>>) src(%dma_wait3A_272 : memref<100096xf32, #tpu.memory_space<hbm>>) dst(%dma_wait3A_267 : memref<128xf32, #tpu.memory_space<vmem>>)
    %dma_wait3A_273 = arith.constant 1 : i32
    %dma_wait3A_274 = arith.constant 128 : i32
    %dma_wait3A_275 = tpu.memref_slice %arg17[%dma_wait3A_274] : memref<512xf32, #tpu.memory_space<vmem>> -> memref<128xf32, #tpu.memory_space<vmem>>
    %dma_wait3A_276 = arith.constant 0 : i32
    %dma_wait3A_277 = tpu.memref_slice %arg12[%dma_wait3A_273, %dma_wait3A_276] : memref<4x128xi32, #tpu.memory_space<vmem>> -> memref<1x128xi32, #tpu.memory_space<vmem>>
    %dma_wait3A_278 = tpu.memref_squeeze %dma_wait3A_277 : memref<1x128xi32, #tpu.memory_space<vmem>> -> memref<128xi32, #tpu.memory_space<vmem>>
    %dma_wait3A_279 = arith.constant 0 : i32
    %dma_wait3A_280 = tpu.memref_slice %arg6[%dma_wait3A_279] : memref<100096xf32, #tpu.memory_space<hbm>> -> memref<100096xf32, #tpu.memory_space<hbm>>
    tpu.wait_indirect_dma semaphore(%arg25 : memref<!tpu.dma_semaphore, #tpu.memory_space<semaphore_mem>>) src(%dma_wait3A_280 : memref<100096xf32, #tpu.memory_space<hbm>>) dst(%dma_wait3A_275 : memref<128xf32, #tpu.memory_space<vmem>>)
    %dma_wait3A_281 = arith.constant 1 : i32
    %dma_wait3A_282 = arith.constant 128 : i32
    %dma_wait3A_283 = tpu.memref_slice %arg18[%dma_wait3A_282] : memref<512xf32, #tpu.memory_space<vmem>> -> memref<128xf32, #tpu.memory_space<vmem>>
    %dma_wait3A_284 = arith.constant 0 : i32
    %dma_wait3A_285 = tpu.memref_slice %arg13[%dma_wait3A_281, %dma_wait3A_284] : memref<4x128xi32, #tpu.memory_space<vmem>> -> memref<1x128xi32, #tpu.memory_space<vmem>>
    %dma_wait3A_286 = tpu.memref_squeeze %dma_wait3A_285 : memref<1x128xi32, #tpu.memory_space<vmem>> -> memref<128xi32, #tpu.memory_space<vmem>>
    %dma_wait3A_287 = arith.constant 0 : i32
    %dma_wait3A_288 = tpu.memref_slice %arg7[%dma_wait3A_287] : memref<100096xf32, #tpu.memory_space<hbm>> -> memref<100096xf32, #tpu.memory_space<hbm>>
    tpu.wait_indirect_dma semaphore(%arg25 : memref<!tpu.dma_semaphore, #tpu.memory_space<semaphore_mem>>) src(%dma_wait3A_288 : memref<100096xf32, #tpu.memory_space<hbm>>) dst(%dma_wait3A_283 : memref<128xf32, #tpu.memory_space<vmem>>)
    %dma_wait3A_289 = arith.constant 2 : i32
    %dma_wait3A_290 = arith.constant 256 : i32
    %dma_wait3A_291 = tpu.memref_slice %arg17[%dma_wait3A_290] : memref<512xf32, #tpu.memory_space<vmem>> -> memref<128xf32, #tpu.memory_space<vmem>>
    %dma_wait3A_292 = arith.constant 0 : i32
    %dma_wait3A_293 = tpu.memref_slice %arg12[%dma_wait3A_289, %dma_wait3A_292] : memref<4x128xi32, #tpu.memory_space<vmem>> -> memref<1x128xi32, #tpu.memory_space<vmem>>
    %dma_wait3A_294 = tpu.memref_squeeze %dma_wait3A_293 : memref<1x128xi32, #tpu.memory_space<vmem>> -> memref<128xi32, #tpu.memory_space<vmem>>
    %dma_wait3A_295 = arith.constant 0 : i32
    %dma_wait3A_296 = tpu.memref_slice %arg6[%dma_wait3A_295] : memref<100096xf32, #tpu.memory_space<hbm>> -> memref<100096xf32, #tpu.memory_space<hbm>>
    tpu.wait_indirect_dma semaphore(%arg25 : memref<!tpu.dma_semaphore, #tpu.memory_space<semaphore_mem>>) src(%dma_wait3A_296 : memref<100096xf32, #tpu.memory_space<hbm>>) dst(%dma_wait3A_291 : memref<128xf32, #tpu.memory_space<vmem>>)
    %dma_wait3A_297 = arith.constant 2 : i32
    %dma_wait3A_298 = arith.constant 256 : i32
    %dma_wait3A_299 = tpu.memref_slice %arg18[%dma_wait3A_298] : memref<512xf32, #tpu.memory_space<vmem>> -> memref<128xf32, #tpu.memory_space<vmem>>
    %dma_wait3A_300 = arith.constant 0 : i32
    %dma_wait3A_301 = tpu.memref_slice %arg13[%dma_wait3A_297, %dma_wait3A_300] : memref<4x128xi32, #tpu.memory_space<vmem>> -> memref<1x128xi32, #tpu.memory_space<vmem>>
    %dma_wait3A_302 = tpu.memref_squeeze %dma_wait3A_301 : memref<1x128xi32, #tpu.memory_space<vmem>> -> memref<128xi32, #tpu.memory_space<vmem>>
    %dma_wait3A_303 = arith.constant 0 : i32
    %dma_wait3A_304 = tpu.memref_slice %arg7[%dma_wait3A_303] : memref<100096xf32, #tpu.memory_space<hbm>> -> memref<100096xf32, #tpu.memory_space<hbm>>
    tpu.wait_indirect_dma semaphore(%arg25 : memref<!tpu.dma_semaphore, #tpu.memory_space<semaphore_mem>>) src(%dma_wait3A_304 : memref<100096xf32, #tpu.memory_space<hbm>>) dst(%dma_wait3A_299 : memref<128xf32, #tpu.memory_space<vmem>>)
    %dma_wait3A_305 = arith.constant 3 : i32
    %dma_wait3A_306 = arith.constant 384 : i32
    %dma_wait3A_307 = tpu.memref_slice %arg17[%dma_wait3A_306] : memref<512xf32, #tpu.memory_space<vmem>> -> memref<128xf32, #tpu.memory_space<vmem>>
    %dma_wait3A_308 = arith.constant 0 : i32
    %dma_wait3A_309 = tpu.memref_slice %arg12[%dma_wait3A_305, %dma_wait3A_308] : memref<4x128xi32, #tpu.memory_space<vmem>> -> memref<1x128xi32, #tpu.memory_space<vmem>>
    %dma_wait3A_310 = tpu.memref_squeeze %dma_wait3A_309 : memref<1x128xi32, #tpu.memory_space<vmem>> -> memref<128xi32, #tpu.memory_space<vmem>>
    %dma_wait3A_311 = arith.constant 0 : i32
    %dma_wait3A_312 = tpu.memref_slice %arg6[%dma_wait3A_311] : memref<100096xf32, #tpu.memory_space<hbm>> -> memref<100096xf32, #tpu.memory_space<hbm>>
    tpu.wait_indirect_dma semaphore(%arg25 : memref<!tpu.dma_semaphore, #tpu.memory_space<semaphore_mem>>) src(%dma_wait3A_312 : memref<100096xf32, #tpu.memory_space<hbm>>) dst(%dma_wait3A_307 : memref<128xf32, #tpu.memory_space<vmem>>)
    %dma_wait3A_313 = arith.constant 3 : i32
    %dma_wait3A_314 = arith.constant 384 : i32
    %dma_wait3A_315 = tpu.memref_slice %arg18[%dma_wait3A_314] : memref<512xf32, #tpu.memory_space<vmem>> -> memref<128xf32, #tpu.memory_space<vmem>>
    %dma_wait3A_316 = arith.constant 0 : i32
    %dma_wait3A_317 = tpu.memref_slice %arg13[%dma_wait3A_313, %dma_wait3A_316] : memref<4x128xi32, #tpu.memory_space<vmem>> -> memref<1x128xi32, #tpu.memory_space<vmem>>
    %dma_wait3A_318 = tpu.memref_squeeze %dma_wait3A_317 : memref<1x128xi32, #tpu.memory_space<vmem>> -> memref<128xi32, #tpu.memory_space<vmem>>
    %dma_wait3A_319 = arith.constant 0 : i32
    %dma_wait3A_320 = tpu.memref_slice %arg7[%dma_wait3A_319] : memref<100096xf32, #tpu.memory_space<hbm>> -> memref<100096xf32, #tpu.memory_space<hbm>>
    tpu.wait_indirect_dma semaphore(%arg25 : memref<!tpu.dma_semaphore, #tpu.memory_space<semaphore_mem>>) src(%dma_wait3A_320 : memref<100096xf32, #tpu.memory_space<hbm>>) dst(%dma_wait3A_315 : memref<128xf32, #tpu.memory_space<vmem>>)
    "tpu.region"() ({
      %run_scoped3A = tpu.sem_alloc : memref<!tpu.dma_semaphore, #tpu.memory_space<semaphore_mem>>
      %dma_start3A_321 = tpu.memref_slice %arg10[%mul3A_2] : memref<16384xf32, #tpu.memory_space<hbm>> -> memref<512xf32, #tpu.memory_space<hbm>>
      %dma_start3A_322 = tpu.memref_slice %arg10[%mul3A_2] : memref<16384xf32, #tpu.memory_space<hbm>> -> memref<512xf32, #tpu.memory_space<hbm>>
      tpu.enqueue_dma source(%arg17 : memref<512xf32, #tpu.memory_space<vmem>>) target(%dma_start3A_322 : memref<512xf32, #tpu.memory_space<hbm>>) target_semaphore(%run_scoped3A : memref<!tpu.dma_semaphore, #tpu.memory_space<semaphore_mem>>)
      %dma_wait3A_323 = tpu.memref_slice %arg10[%mul3A_2] : memref<16384xf32, #tpu.memory_space<hbm>> -> memref<512xf32, #tpu.memory_space<hbm>>
      %dma_wait3A_324 = tpu.memref_slice %arg10[%mul3A_2] : memref<16384xf32, #tpu.memory_space<hbm>> -> memref<512xf32, #tpu.memory_space<hbm>>
      tpu.wait_dma2 semaphore(%run_scoped3A : memref<!tpu.dma_semaphore, #tpu.memory_space<semaphore_mem>>) src(%arg17 : memref<512xf32, #tpu.memory_space<vmem>>) dst(%dma_wait3A_324 : memref<512xf32, #tpu.memory_space<hbm>>)
      tpu.yield
    }) : () -> ()
    "tpu.region"() ({
      %run_scoped3A = tpu.sem_alloc : memref<!tpu.dma_semaphore, #tpu.memory_space<semaphore_mem>>
      %dma_start3A_321 = tpu.memref_slice %arg11[%mul3A_2] : memref<16384xf32, #tpu.memory_space<hbm>> -> memref<512xf32, #tpu.memory_space<hbm>>
      %dma_start3A_322 = tpu.memref_slice %arg11[%mul3A_2] : memref<16384xf32, #tpu.memory_space<hbm>> -> memref<512xf32, #tpu.memory_space<hbm>>
      tpu.enqueue_dma source(%arg18 : memref<512xf32, #tpu.memory_space<vmem>>) target(%dma_start3A_322 : memref<512xf32, #tpu.memory_space<hbm>>) target_semaphore(%run_scoped3A : memref<!tpu.dma_semaphore, #tpu.memory_space<semaphore_mem>>)
      %dma_wait3A_323 = tpu.memref_slice %arg11[%mul3A_2] : memref<16384xf32, #tpu.memory_space<hbm>> -> memref<512xf32, #tpu.memory_space<hbm>>
      %dma_wait3A_324 = tpu.memref_slice %arg11[%mul3A_2] : memref<16384xf32, #tpu.memory_space<hbm>> -> memref<512xf32, #tpu.memory_space<hbm>>
      tpu.wait_dma2 semaphore(%run_scoped3A : memref<!tpu.dma_semaphore, #tpu.memory_space<semaphore_mem>>) src(%arg18 : memref<512xf32, #tpu.memory_space<vmem>>) dst(%dma_wait3A_324 : memref<512xf32, #tpu.memory_space<hbm>>)
      tpu.yield
    }) : () -> ()
    return
  }
}

module attributes {stable_mosaic.version = 14 : i64} {
  func.func @_mlp_body(%arg0: i32, %arg1: memref<64x16384xf32, #tpu.memory_space<vmem>>, %arg2: memref<4096x128xf32, #tpu.memory_space<vmem>>, %arg3: memref<4096x128xf32, #tpu.memory_space<vmem>>, %arg4: memref<1x1x4096xf32, #tpu.memory_space<vmem>>, %arg5: memref<1x1x4096xf32, #tpu.memory_space<vmem>>, %arg6: memref<448x64xf32, #tpu.memory_space<vmem>>, %arg7: memref<1x64xf32, #tpu.memory_space<vmem>>, %arg8: memref<64x32xf32, #tpu.memory_space<vmem>>, %arg9: memref<1x32xf32, #tpu.memory_space<vmem>>, %arg10: memref<1x32xf32, #tpu.memory_space<vmem>>, %arg11: memref<1x1xf32, #tpu.memory_space<vmem>>, %arg12: memref<1x1x4096xf32, #tpu.memory_space<vmem>>) attributes {dimension_semantics = [#tpu.dimension_semantics<arbitrary>], iteration_bounds = array<i64: 4>, scalar_prefetch = 0 : i64, scratch_operands = 0 : i64, tpu.core_type = #tpu.core_type<tc>, window_params = [{pipeline_mode = #tpu.pipeline_mode<synchronous>, transform_indices = @transform_0, window_bounds = array<i64: 64, 16384>}, {transform_indices = @transform_1, window_bounds = array<i64: 4096, 128>}, {transform_indices = @transform_2, window_bounds = array<i64: 4096, 128>}, {transform_indices = @transform_3, window_bounds = array<i64: 1, 1, 4096>}, {transform_indices = @transform_4, window_bounds = array<i64: 1, 1, 4096>}, {pipeline_mode = #tpu.pipeline_mode<synchronous>, transform_indices = @transform_5, window_bounds = array<i64: 448, 64>}, {pipeline_mode = #tpu.pipeline_mode<synchronous>, transform_indices = @transform_6, window_bounds = array<i64: 1, 64>}, {pipeline_mode = #tpu.pipeline_mode<synchronous>, transform_indices = @transform_7, window_bounds = array<i64: 64, 32>}, {pipeline_mode = #tpu.pipeline_mode<synchronous>, transform_indices = @transform_8, window_bounds = array<i64: 1, 32>}, {pipeline_mode = #tpu.pipeline_mode<synchronous>, transform_indices = @transform_9, window_bounds = array<i64: 1, 32>}, {pipeline_mode = #tpu.pipeline_mode<synchronous>, transform_indices = @transform_10, window_bounds = array<i64: 1, 1>}, {transform_indices = @transform_11, window_bounds = array<i64: 1, 1, 4096>}]} {
    %get3A = arith.constant 0 : index
    %get3A_0 = arith.constant 0 : index
    %get3A_1 = vector.load %arg2[%get3A, %get3A_0] : memref<4096x128xf32, #tpu.memory_space<vmem>>, vector<4096x128xf32>
    %get3A_2 = arith.constant 0 : index
    %get3A_3 = arith.constant 0 : index
    %get3A_4 = vector.load %arg3[%get3A_2, %get3A_3] : memref<4096x128xf32, #tpu.memory_space<vmem>>, vector<4096x128xf32>
    %mul3A = arith.constant 4096 : i32
    %mul3A_5 = arith.muli %arg0, %mul3A : i32
    %get3A_6 = arith.constant 0 : index
    %get3A_7 = arith.index_cast %mul3A_5 : i32 to index
    %get3A_8 = vector.load %arg1[%get3A_6, %get3A_7] : memref<64x16384xf32, #tpu.memory_space<vmem>>, vector<64x4096xf32>
    %get3A_9 = arith.constant 0 : index
    %get3A_10 = arith.constant 0 : index
    %get3A_11 = vector.load %arg6[%get3A_9, %get3A_10] : memref<448x64xf32, #tpu.memory_space<vmem>>, vector<64x64xf32>
    %dot_general3A = arith.constant dense<0.000000e+00> : vector<4096x64xf32>
    %dot_general3A_12 = tpu.matmul %get3A_8, %get3A_11, %dot_general3A {dimension_numbers = #tpu.dot_dimension_numbers<[0], [0], [1], [1], [0, 1, 1, 1], [], []>, transpose_lhs_hint = false} : vector<64x4096xf32>, vector<64x64xf32>, vector<4096x64xf32> -> vector<4096x64xf32>
    %get3A_13 = arith.constant 64 : index
    %get3A_14 = arith.constant 0 : index
    %get3A_15 = vector.load %arg6[%get3A_13, %get3A_14] : memref<448x64xf32, #tpu.memory_space<vmem>>, vector<128x64xf32>
    %dot_general3A_16 = arith.constant dense<0.000000e+00> : vector<4096x64xf32>
    %dot_general3A_17 = tpu.matmul %get3A_1, %get3A_15, %dot_general3A_16 {dimension_numbers = #tpu.dot_dimension_numbers<[1], [0], [0], [1], [0, 0, 1, 1], [], []>, transpose_lhs_hint = false} : vector<4096x128xf32>, vector<128x64xf32>, vector<4096x64xf32> -> vector<4096x64xf32>
    %get3A_18 = arith.constant 192 : index
    %get3A_19 = arith.constant 0 : index
    %get3A_20 = vector.load %arg6[%get3A_18, %get3A_19] : memref<448x64xf32, #tpu.memory_space<vmem>>, vector<128x64xf32>
    %dot_general3A_21 = arith.constant dense<0.000000e+00> : vector<4096x64xf32>
    %dot_general3A_22 = tpu.matmul %get3A_4, %get3A_20, %dot_general3A_21 {dimension_numbers = #tpu.dot_dimension_numbers<[1], [0], [0], [1], [0, 0, 1, 1], [], []>, transpose_lhs_hint = false} : vector<4096x128xf32>, vector<128x64xf32>, vector<4096x64xf32> -> vector<4096x64xf32>
    %mul3A_23 = arith.mulf %get3A_1, %get3A_4 : vector<4096x128xf32>
    %get3A_24 = arith.constant 320 : index
    %get3A_25 = arith.constant 0 : index
    %get3A_26 = vector.load %arg6[%get3A_24, %get3A_25] : memref<448x64xf32, #tpu.memory_space<vmem>>, vector<128x64xf32>
    %dot_general3A_27 = arith.constant dense<0.000000e+00> : vector<4096x64xf32>
    %dot_general3A_28 = tpu.matmul %mul3A_23, %get3A_26, %dot_general3A_27 {dimension_numbers = #tpu.dot_dimension_numbers<[1], [0], [0], [1], [0, 0, 1, 1], [], []>, transpose_lhs_hint = false} : vector<4096x128xf32>, vector<128x64xf32>, vector<4096x64xf32> -> vector<4096x64xf32>
    %add3A = arith.addf %dot_general3A_17, %dot_general3A_22 : vector<4096x64xf32>
    %mul3A_29 = arith.constant 0.0883883461 : f32
    %mul3A_30 = vector.broadcast %mul3A_29 : f32 to vector<4096x64xf32>
    %mul3A_31 = arith.mulf %mul3A_30, %add3A : vector<4096x64xf32>
    %add3A_32 = arith.addf %dot_general3A_12, %mul3A_31 : vector<4096x64xf32>
    %mul3A_33 = arith.constant 7.812500e-03 : f32
    %mul3A_34 = vector.broadcast %mul3A_33 : f32 to vector<4096x64xf32>
    %mul3A_35 = arith.mulf %mul3A_34, %dot_general3A_28 : vector<4096x64xf32>
    %add3A_36 = arith.addf %add3A_32, %mul3A_35 : vector<4096x64xf32>
    %get3A_37 = arith.constant 0 : index
    %get3A_38 = arith.constant 0 : index
    %get3A_39 = vector.load %arg7[%get3A_37, %get3A_38] : memref<1x64xf32, #tpu.memory_space<vmem>>, vector<1x64xf32>
    %add3A_40 = vector.broadcast %get3A_39 : vector<1x64xf32> to vector<4096x64xf32>
    %add3A_41 = arith.addf %add3A_36, %add3A_40 : vector<4096x64xf32>
    %max3A = arith.constant 0.000000e+00 : f32
    %max3A_42 = vector.broadcast %max3A : f32 to vector<4096x64xf32>
    %max3A_43 = arith.maximumf %add3A_41, %max3A_42 : vector<4096x64xf32>
    %get3A_44 = arith.constant 0 : index
    %get3A_45 = arith.constant 0 : index
    %get3A_46 = vector.load %arg8[%get3A_44, %get3A_45] : memref<64x32xf32, #tpu.memory_space<vmem>>, vector<64x32xf32>
    %dot_general3A_47 = arith.constant dense<0.000000e+00> : vector<4096x32xf32>
    %dot_general3A_48 = tpu.matmul %max3A_43, %get3A_46, %dot_general3A_47 {dimension_numbers = #tpu.dot_dimension_numbers<[1], [0], [0], [1], [0, 0, 1, 1], [], []>, transpose_lhs_hint = false} : vector<4096x64xf32>, vector<64x32xf32>, vector<4096x32xf32> -> vector<4096x32xf32>
    %get3A_49 = arith.constant 0 : index
    %get3A_50 = arith.constant 0 : index
    %get3A_51 = vector.load %arg9[%get3A_49, %get3A_50] : memref<1x32xf32, #tpu.memory_space<vmem>>, vector<1x32xf32>
    %add3A_52 = vector.broadcast %get3A_51 : vector<1x32xf32> to vector<4096x32xf32>
    %add3A_53 = arith.addf %dot_general3A_48, %add3A_52 : vector<4096x32xf32>
    %max3A_54 = arith.constant 0.000000e+00 : f32
    %max3A_55 = vector.broadcast %max3A_54 : f32 to vector<4096x32xf32>
    %max3A_56 = arith.maximumf %add3A_53, %max3A_55 : vector<4096x32xf32>
    %transpose3A = tpu.transpose %max3A_56, [1, 0] : vector<4096x32xf32> -> vector<32x4096xf32>
    %get3A_57 = arith.constant 0 : index
    %get3A_58 = arith.constant 0 : index
    %get3A_59 = vector.load %arg10[%get3A_57, %get3A_58] : memref<1x32xf32, #tpu.memory_space<vmem>>, vector<1x32xf32>
    %dot_general3A_60 = arith.constant dense<0.000000e+00> : vector<1x4096xf32>
    %dot_general3A_61 = tpu.matmul %get3A_59, %transpose3A, %dot_general3A_60 {dimension_numbers = #tpu.dot_dimension_numbers<[1], [0], [0], [1], [0, 0, 1, 1], [], []>, transpose_lhs_hint = false} : vector<1x32xf32>, vector<32x4096xf32>, vector<1x4096xf32> -> vector<1x4096xf32>
    %get3A_62 = arith.constant 0 : index
    %get3A_63 = arith.constant 0 : index
    %get3A_64 = vector.load %arg11[%get3A_62, %get3A_63] : memref<1x1xf32, #tpu.memory_space<vmem>>, vector<1x1xf32>
    %get3A_65 = vector.extract %get3A_64[0, 0] : f32 from vector<1x1xf32>
    %add3A_66 = vector.broadcast %get3A_65 : f32 to vector<1x4096xf32>
    %add3A_67 = arith.addf %dot_general3A_61, %add3A_66 : vector<1x4096xf32>
    %get3A_68 = arith.constant 0 : index
    %get3A_69 = arith.constant 0 : index
    %get3A_70 = arith.constant 0 : index
    %get3A_71 = vector.load %arg4[%get3A_68, %get3A_69, %get3A_70] : memref<1x1x4096xf32, #tpu.memory_space<vmem>>, vector<1x1x4096xf32>
    %get3A_72 = vector.shape_cast %get3A_71 : vector<1x1x4096xf32> to vector<1x4096xf32>
    %add3A_73 = arith.addf %add3A_67, %get3A_72 : vector<1x4096xf32>
    %get3A_74 = arith.constant 0 : index
    %get3A_75 = arith.constant 0 : index
    %get3A_76 = arith.constant 0 : index
    %get3A_77 = vector.load %arg5[%get3A_74, %get3A_75, %get3A_76] : memref<1x1x4096xf32, #tpu.memory_space<vmem>>, vector<1x1x4096xf32>
    %get3A_78 = vector.shape_cast %get3A_77 : vector<1x1x4096xf32> to vector<1x4096xf32>
    %add3A_79 = arith.addf %add3A_73, %get3A_78 : vector<1x4096xf32>
    %add3A_80 = arith.constant 3.500000e+00 : f32
    %add3A_81 = vector.broadcast %add3A_80 : f32 to vector<1x4096xf32>
    %add3A_82 = arith.addf %add3A_79, %add3A_81 : vector<1x4096xf32>
    %swap3A = arith.constant 0 : index
    %swap3A_83 = arith.constant 0 : index
    %swap3A_84 = arith.constant 0 : index
    %swap3A_85 = vector.load %arg12[%swap3A, %swap3A_83, %swap3A_84] : memref<1x1x4096xf32, #tpu.memory_space<vmem>>, vector<1x1x4096xf32>
    %swap3A_86 = vector.shape_cast %swap3A_85 : vector<1x1x4096xf32> to vector<1x4096xf32>
    %swap3A_87 = vector.shape_cast %add3A_82 : vector<1x4096xf32> to vector<1x1x4096xf32>
    tpu.vector_store %arg12[%swap3A, %swap3A_83, %swap3A_84], %swap3A_87 {strides = array<i32>} : memref<1x1x4096xf32, #tpu.memory_space<vmem>>, vector<1x1x4096xf32>,
    return
  }
  func.func @transform_0(%arg0: i32) -> (i32, i32) {
    %c0_i32 = arith.constant 0 : i32
    %c0_i32_0 = arith.constant 0 : i32
    %c0_i32_1 = arith.constant 0 : i32
    return %c0_i32, %c0_i32_0 : i32, i32
  }
  func.func @transform_1(%arg0: i32) -> (i32, i32) {
    %c0_i32 = arith.constant 0 : i32
    %c0_i32_0 = arith.constant 0 : i32
    return %arg0, %c0_i32 : i32, i32
  }
  func.func @transform_2(%arg0: i32) -> (i32, i32) {
    %c0_i32 = arith.constant 0 : i32
    %c0_i32_0 = arith.constant 0 : i32
    return %arg0, %c0_i32 : i32, i32
  }
  func.func @transform_3(%arg0: i32) -> (i32, i32, i32) {
    %c0_i32 = arith.constant 0 : i32
    %c0_i32_0 = arith.constant 0 : i32
    %c0_i32_1 = arith.constant 0 : i32
    return %arg0, %c0_i32, %c0_i32_0 : i32, i32, i32
  }
  func.func @transform_4(%arg0: i32) -> (i32, i32, i32) {
    %c0_i32 = arith.constant 0 : i32
    %c0_i32_0 = arith.constant 0 : i32
    %c0_i32_1 = arith.constant 0 : i32
    return %arg0, %c0_i32, %c0_i32_0 : i32, i32, i32
  }
  func.func @transform_5(%arg0: i32) -> (i32, i32) {
    %c0_i32 = arith.constant 0 : i32
    %c0_i32_0 = arith.constant 0 : i32
    %c0_i32_1 = arith.constant 0 : i32
    return %c0_i32, %c0_i32_0 : i32, i32
  }
  func.func @transform_6(%arg0: i32) -> (i32, i32) {
    %c0_i32 = arith.constant 0 : i32
    %c0_i32_0 = arith.constant 0 : i32
    %c0_i32_1 = arith.constant 0 : i32
    return %c0_i32, %c0_i32_0 : i32, i32
  }
  func.func @transform_7(%arg0: i32) -> (i32, i32) {
    %c0_i32 = arith.constant 0 : i32
    %c0_i32_0 = arith.constant 0 : i32
    %c0_i32_1 = arith.constant 0 : i32
    return %c0_i32, %c0_i32_0 : i32, i32
  }
  func.func @transform_8(%arg0: i32) -> (i32, i32) {
    %c0_i32 = arith.constant 0 : i32
    %c0_i32_0 = arith.constant 0 : i32
    %c0_i32_1 = arith.constant 0 : i32
    return %c0_i32, %c0_i32_0 : i32, i32
  }
  func.func @transform_9(%arg0: i32) -> (i32, i32) {
    %c0_i32 = arith.constant 0 : i32
    %c0_i32_0 = arith.constant 0 : i32
    %c0_i32_1 = arith.constant 0 : i32
    return %c0_i32, %c0_i32_0 : i32, i32
  }
  func.func @transform_10(%arg0: i32) -> (i32, i32) {
    %c0_i32 = arith.constant 0 : i32
    %c0_i32_0 = arith.constant 0 : i32
    %c0_i32_1 = arith.constant 0 : i32
    return %c0_i32, %c0_i32_0 : i32, i32
  }
  func.func @transform_11(%arg0: i32) -> (i32, i32, i32) {
    %c0_i32 = arith.constant 0 : i32
    %c0_i32_0 = arith.constant 0 : i32
    %c0_i32_1 = arith.constant 0 : i32
    return %arg0, %c0_i32, %c0_i32_0 : i32, i32, i32
  }
}

</mosaic_0001>

<sc_bundles>
// kernel: kernel.4.cloned.1.call-start
scs
__scs_entry_jumppad:
0x0: {  	(pc) =	sbr.rel $0x88, $3  }
0x1: {  	(tag) =	ssettag $0x0;
	lr =	simm.s32 $0x1  }
0x2: {  	[smem:$0x3F94] =	sst lr;
	_ =	strace $0xD0000000  }
0x3: {  	_ = 	snop  }
0x4: {  	_ = 	snop  }
0x5: {  	_ = 	snop  }
0x6: {  	_ = 	snop  }
0x7: {  	_ = 	snop  }
__scs_overlays_trampoline_lowered:
0x8: {  	[smem:$0x3FA3] =	sst s0  }
0x9: {  	[smem:$0x3FA4] =	sst s1  }
0xa: {  	[smem:$0x3FA5] =	sst s2  }
0xb: {  	[smem:$0x3FA6] =	sst s3  }
0xc: {  	[smem:$0x3FA7] =	sst s4  }
0xd: {  	[smem:$0x3FA8] =	sst s5  }
0xe: {  	[smem:$0x3FA9] =	sst s6  }
0xf: {  	[smem:$0x3FAA] =	sst s7  }
0x10: {  	[smem:$0x3FAB] =	sst s8  }
0x11: {  	[smem:$0x3FAC] =	sst s9;
	s0 =	simm.s32 @!p0 $0x0  }
0x12: {  	s1 =	sld [smem:$0x3F92];
	s0 =	simm.s32 @p0 $0x1  }
0x13: {  	[smem:$0x3FAD] =	sst s0;
	s0 =	simm.s32 @!p1 $0x0  }
0x14: {  	s2 =	sld [smem:$0x3F91];
	s0 =	simm.s32 @p1 $0x1  }
0x15: {  	[smem:$0x3FAE] =	sst s0;
	s0 =	simm.s32 @!p2 $0x0  }
0x16: {  	s3 =	sld [smem:$0x3FDB];
	s0 =	simm.s32 @p2 $0x1  }
0x17: {  	s4 =	simm.s32 $0x1BF5;
	[smem:$0x3FB0] =	sst s0  }
0x18: {  	s0 =	sld [smem:$0x3F93];
	_ =	swait.ge [sflag:s4], $0x0  }
0x19: {  	s7 =	sld [smem:$0x3F94]  }
0x1a: {  	s8 =	sadd.s32 $0xFFFFE003, lr  }
0x1b: {  	s9 =	sadd.s32 $0xFFFFFEF7, lr;
	s5 =	simm.s32 $0xFFFFFFFF;
	p2 =	slt.u32 s8, $0xFFFFF086  }
0x1c: {  	p1 =	slt.u32 s9, $0xF7A;
	s5 =	simm.s32 @!p2 $0x0  }
0x1d: {  	s5 =	simm.s32 @p1 $0x1;
	p0 =	seq.s32 s7, s2  }
0x1e: {  	s7 =	smul.u32 @!p0 $0xF7A, s2;
	p2 =	seq.s32 @!p0 s5, $0x0  }
0x1f: {  	s9 =	smul.u32 $0xF7A, s1;
	s8 =	simm.s32 @!p0 $0x1BF5;
	p2 =	por !p2, p0  }
0x20: {  	[sflag:s8] =	ssyncset.s32 @!p0 $0xFFFFF086;
	s6 =	sadd.s32 @!p0 s3, s7;
	s7 =	simm.s32 @!p0 $0x108  }
0x21: {  	s3 =	sadd.s32 s3, s9;
	s6 =	sadd.s32 @!p0 $0x88, s6;
	s7 =	simm.s32 @p2 $0x1082  }
0x22: {  	[simem:s7], [sflag:s8] =	dma.local @!p0 [hbm:s6], $0xF7A  }
0x23: {  	s9 =	sor.u32 $0xD0000000, s2;
	s6 =	simm.s32 $0x108;
	_ =	swait.ge @!p0 [sflag:s8], $0x0  }
0x24: {  	s3 =	sadd.s32 $0x88, s3;
	s6 =	simm.s32 @!p1 $0x1082;
	[sflag:s4] =	ssyncset.s32 $0xFFFFF086  }
0x25: {  	[simem:s6], [sflag:s4] =	dma.local [hbm:s3], $0xF7A  }
0x26: {  	[smem:$0x3F94] =	sst s1;
	(tag) =	ssettag s2;
	_ =	strace s9  }
0x27: {  	s1 =	sld [smem:$0x3FA4]  }
0x28: {  	s2 =	sld [smem:$0x3FA5]  }
0x29: {  	s4 =	sld [smem:$0x3FA7]  }
0x2a: {  	p0 =	seq.s32 s5, $0x0;
	s5 =	sld [smem:$0x3FA8]  }
0x2b: {  	s6 =	sld [smem:$0x3FA9]  }
0x2c: {  	s7 =	sld [smem:$0x3FAA]  }
0x2d: {  	s3 =	simm.s32 $0x108;
	s8 =	sld [smem:$0x3FAB]  }
0x2e: {  	s3 =	simm.s32 @!p0 $0x1082;
	s9 =	sld [smem:$0x3FAC]  }
0x2f: {  	lr =	sadd.s32 s0, s3;
	s0 =	sld [smem:$0x3FA3]  }
0x30: {  	s3 =	sld [smem:$0x3FA6]  }
0x31: {  	[smem:$0x3FAF] =	sst s10  }
0x32: {  	s10 =	sld [smem:$0x3FAD];
	_ =	sdelay $0x3  }
0x33: {  	p0 =	seq.s32 s10, $0x1;
	s10 =	sld [smem:$0x3FAF];
	_ =	sdelay $0x3  }
0x34: {  	[smem:$0x3FAF] =	sst s10  }
0x35: {  	s10 =	sld [smem:$0x3FAE];
	_ =	sdelay $0x3  }
0x36: {  	p1 =	seq.s32 s10, $0x1;
	s10 =	sld [smem:$0x3FAF];
	_ =	sdelay $0x3  }
0x37: {  	[smem:$0x3FAF] =	sst s10  }
0x38: {  	s10 =	sld [smem:$0x3FB0]  }
0x39: {  	_ = 	snop;
	(pc) =	sbr.ind lr, $3  }
0x3a: {  	_ = 	snop  }
0x3b: {  	_ = 	snop  }
0x3c: {  	p2 =	seq.s32 s10, $0x1;
	s10 =	sld [smem:$0x3FAF]  }
0x3d: {  	_ =	shalt  }
0x3e: {  	_ =	shalt  }
0x3f: {  	_ =	shalt  }
0x40: {  	_ =	shalt  }
0x41: {  	_ =	shalt  }
0x42: {  	_ =	shalt  }
0x43: {  	_ =	shalt  }
0x44: {  	_ =	shalt  }
0x45: {  	_ =	shalt  }
0x46: {  	_ =	shalt  }
0x47: {  	_ =	shalt  }
0x48: {  	_ =	shalt  }
0x49: {  	_ =	shalt  }
0x4a: {  	_ =	shalt  }
0x4b: {  	_ =	shalt  }
0x4c: {  	_ =	shalt  }
0x4d: {  	_ =	shalt  }
0x4e: {  	_ =	shalt  }
0x4f: {  	_ =	shalt  }
0x50: {  	_ =	shalt  }
0x51: {  	_ =	shalt  }
0x52: {  	_ =	shalt  }
0x53: {  	_ =	shalt  }
0x54: {  	_ =	shalt  }
0x55: {  	_ =	shalt  }
0x56: {  	_ =	shalt  }
0x57: {  	_ =	shalt  }
0x58: {  	_ =	shalt  }
0x59: {  	_ =	shalt  }
0x5a: {  	_ =	shalt  }
0x5b: {  	_ =	shalt  }
0x5c: {  	_ =	shalt  }
0x5d: {  	_ =	shalt  }
0x5e: {  	_ =	shalt  }
0x5f: {  	_ =	shalt  }
0x60: {  	_ =	shalt  }
0x61: {  	_ =	shalt  }
0x62: {  	_ =	shalt  }
0x63: {  	_ =	shalt  }
0x64: {  	_ =	shalt  }
0x65: {  	_ =	shalt  }
0x66: {  	_ =	shalt  }
0x67: {  	_ =	shalt  }
0x68: {  	_ =	shalt  }
0x69: {  	_ =	shalt  }
0x6a: {  	_ =	shalt  }
0x6b: {  	_ =	shalt  }
0x6c: {  	_ =	shalt  }
0x6d: {  	_ =	shalt  }
0x6e: {  	_ =	shalt  }
0x6f: {  	_ =	shalt  }
0x70: {  	_ =	shalt  }
0x71: {  	_ =	shalt  }
0x72: {  	_ =	shalt  }
0x73: {  	_ =	shalt  }
0x74: {  	_ =	shalt  }
0x75: {  	_ =	shalt  }
0x76: {  	_ =	shalt  }
0x77: {  	_ =	shalt  }
0x78: {  	_ =	shalt  }
0x79: {  	_ =	shalt  }
0x7a: {  	_ =	shalt  }
0x7b: {  	_ =	shalt  }
0x7c: {  	_ =	shalt  }
0x7d: {  	_ =	shalt  }
0x7e: {  	_ =	shalt  }
0x7f: {  	_ =	shalt  }
0x80: {  	_ =	shalt  }
0x81: {  	_ =	shalt  }
0x82: {  	_ =	shalt  }
0x83: {  	_ =	shalt  }
0x84: {  	_ =	shalt  }
0x85: {  	_ =	shalt  }
0x86: {  	_ =	shalt  }
0x87: {  	_ =	shalt  }
.Lfunc_end0:
.L_simem_size_0:
called_computation_lowered:
.L_overlay_start_0:
0x88: {  	s2 =	sld [smem:$0x3FD9]  }
0x89: {  	s3 =	sld [smem:$0x3FFE];
	_ =	sdelay $0x1  }
0x8a: {  	s1 =	srdreg.scid  }
0x8b: {  	s0 =	sand.u32 $0x1, s1  }
0x8c: {  	s17 =	sshll.u32 s0, $0xA;
	s2 =	sadd.s32 s3, s2  }
0x8d: {  	s2 =	sadd.s32 s2, s17  }
0x8e: {  	[smem:$0x3FBB] =	sst s2  }
0x8f: {  	_ = 	snop  }
0x90: {  	s2 =	sld [smem:$0x3FC8]  }
0x91: {  	s18 =	sld [smem:$0x3FC7]  }
0x92: {  	s4 =	sld [smem:$0x3FC6]  }
0x93: {  	s5 =	sld [smem:$0x3FC5]  }
0x94: {  	s6 =	sld [smem:$0x3FD0];
	(tm) =	ssettm $0x1  }
0x95: {  	s7 =	sld [smem:$0x3FFB];
	_ =	sdelay $0x3  }
0x96: {  	_ =	strace s7  }
0x97: {  	s7 =	sld [smem:$0x3FFC];
	_ =	sdelay $0x3  }
0x98: {  	_ =	strace s7  }
0x99: {  	s7 =	sld [smem:$0x3FFD];
	_ =	sdelay $0x3  }
0x9a: {  	_ =	strace s7  }
0x9b: {  	_ =	strace $0x8FFFFFFF  }
0x9c: {  	s19 =	sld [smem:$0x3FDB];
	_ =	sdelay $0x1  }
0x9d: {  	s8 =	simm.s32 $_scs_section_size  }
0x9e: {  	s9 =	simm.s32 $_size__tile_overlayer_lowered;
	s10 =	simm.s32 $_tile_overlayer_lowered  }
0x9f: {  	s22 =	simm.s32 $0x1BFF;
	s21 =	sshll.u32 s10, $0x1;
	s7 =	sadd.s32 s8, s19  }
0xa0: {  	s11 =	simm.s32 $0x0;
	s20 =	sshll.u32 s9, $0x1;
	s9 =	sadd.s32 s21, s7  }
0xa1: {  	[timem:s11], [sflag:s22] =	dma.local [hbm:s9], s20  }
0xa2: {  	_ =	swait.ge [sflag:s22], s20  }
0xa3: {  	s8 =	ssub.s32 $0x0, s20;
	[sflag:s22] =	ssyncset.done $0x0  }
0xa4: {  	[sflag:s22] =	ssyncadd.s32 s8;
	_ =	sdelay $0x1  }
0xa5: {  	s23 =	simm.s32 $0x1B8B  }
0xa6: {  	_ =	swait.ge [sflag:s23], $0x1  }
0xa7: {  	[sflag:s23] =	ssyncset.done $0x0  }
0xa8: {  	s25 =	simm.s32 $0x1B8E;
	s24 =	sld [smem:$0x3FFE];
	[sflag:s23] =	ssyncadd.s32 $0xFFFFFFFF  }
0xa9: {  	s26 =	simm.s32 $execute0_lowered;
	[smem:$0x3FD2] =	sst s25  }
0xaa: {  	s9 =	sshll.u32 s26, $0x1;
	_ =	strace $0x80000046;
	[dreg:$0x1] =	wrdreg $0xFFFFFFFF  }
0xab: {  	s28 =	simm.s32 $_size_execute0_lowered;
	s7 =	sadd.s32 s7, s9;
	[dreg:$0x0] =	wrdreg $0x0  }
0xac: {  	s9 =	sshll.u32 s28, $0x1;
	[dreg:$0x2] =	wrdreg s7  }
0xad: {  	[dreg:$0x3] =	wrdreg s9  }
0xae: {  	[dreg:$0x4] =	wrdreg $0xC0  }
0xaf: {  	_ =	task [dreg:s11], $0x5FFFF  }
0xb0: {  	[dreg:$0x1] =	wrdreg $0xFFFFFFFF  }
0xb1: {  	[dreg:$0x0] =	wrdreg $0x60  }
0xb2: {  	[dreg:$0x2] =	wrdreg s2  }
0xb3: {  	[dreg:$0x3] =	wrdreg s18  }
0xb4: {  	[dreg:$0x4] =	wrdreg s4  }
0xb5: {  	[dreg:$0x5] =	wrdreg s5  }
0xb6: {  	[dreg:$0x6] =	wrdreg s24  }
0xb7: {  	[dreg:$0x7] =	wrdreg s6  }
0xb8: {  	[dreg:$0x8] =	wrdreg $0x9  }
0xb9: {  	_ =	task.clear_ibuf [dreg:s11], $0x9FFFF;
	_ =	strace $0x90000046  }
0xba: {  	s29 =	simm.s32 $0x9;
	_ =	strace $0x80000048  }
0xbb: {  	_ =	swait.ge [sflag:s29], $0x1  }
0xbc: {  	[sflag:s29] =	ssyncadd.s32 $0xFFFFFFFF  }
0xbd: {  	_ =	strace $0x90000048  }
0xbe: {  	_ =	sfence  }
0xbf: {  	s30 =	sld [smem:$0x0];
	_ =	sdelay $0x2  }
0xc0: {  	s31 =	sshll.u32 s1, $0xD;
	s1 =	sshrl.u32 s1, $0x2  }
0xc1: {  	s3 =	sand.u32 $0x4000, s31;
	s1 =	sadd.s32 s1, s30  }
0xc2: {  	s0 =	sor.u32 s3, s0;
	s1 =	sshll.u32 s1, $0x11  }
0xc3: {  	s0 =	sor.u32 s1, s0  }
0xc4: {  	s0 =	sadd.s32 $0x8F2B, s0  }
0xc5: {  	[sflag:s0] =	ssyncadd.remote.s32 $0x1  }
0xc6: {  	_ =	sfence.sel $0xFFFF  }
0xc7: {  	[dreg:$0x0] =	wrdreg $0xFFFFFFFF;
	(pc) =	sbr.abs _section_cstart, $3  }
0xc8: {  	[dreg:$0x1] =	wrdreg $0xFFFFFFFF  }
0xc9: {  	_ =	task.clear_ibuf [dreg:s11], $0x2FFFF;
	_ =	strace $0x9FFFFFFF  }
0xca: {  	(tm) =	ssettm $0x7FFFFFFF  }
0xcb: {  	_ =	shalt  }
tec
execute0_lowered:
.L_overlay_start_1:
0x0: {  	(tag) =	ssettag $0x1  }
0x1: {  	s0 =	rddreg [dreg:$0x0]  }
0x2: {  	s1 =	rddreg [dreg:$0x1]  }
0x3: {  	s8 =	rddreg [dreg:$0x2]  }
0x4: {  	s4 =	rddreg [dreg:$0x3];
	s2 =	srdreg.scid  }
0x5: {  	s3 =	rddreg [dreg:$0x4];
	s7 =	stileid.u32  }
0x6: {  	s6 =	rddreg [dreg:$0x5];
	s30 =	simm.s32 $0xC700;
	s31 =	simm.s32 $0xC580  }
0x7: {  	s29 =	simm.s32 $0xC780;
	p0 =	por $0x0, $0x0;
	s5 =	sand.u32 $0x1, s2  }
0x8: {  	s7 =	sshll.u32 s7, $0xA;
	s2 =	simm.s32 $0x0;
	s10 =	sadd.s32 $0x7600, s3  }
0x9: {  	s13 =	sadd.s32 $0x47600, s3;
	s9 =	sshll.u32 s5, $0x9;
	[smem:$0x7FF] =	sst s2  }
0xa: {  	s5 =	ssub.s32 $0x2, s5;
	s7 =	sor.u32 s9, s7;
	_ =	strace $0x80000047  }
0xb: {  	s17 =	sshrl.u32 s5, $0x1;
	s9 =	sshrl.u32 s7, $0x3;
	s22 =	sshll.u32 s7, $0x4  }
0xc: {  	s19 =	ssub.s32 s5, s17;
	s5 =	simm.s32 $0xC600;
	s17 =	simm.s32 $0x8400  }
0xd: {  	s0 =	sadd.s32 s0, s9;
	s21 =	sadd.s32 s1, s9;
	s23 =	sadd.s32 s10, s22  }
0xe: {  	s7 =	sor.u32 $0x800, s22;
	s11 =	sor.u32 $0x1000, s22;
	s12 =	sor.u32 $0x1800, s22  }
0xf: {  	s1 =	sadd.s32 s13, s22;
	s14 =	sadd.s32 s9, s3;
	s16 =	sadd.s32 s6, s9  }
0x10: {  	s20 =	smax.u32 s19, $0x1;
	s22 =	simm.s32 $0x200;
	[dreg:$0x7] =	wrdreg s0  }
0x11: {  	s9 =	simm.s32 $0x80;
	s6 =	simm.s32 $0xC400;
	[dreg:$0x8] =	wrdreg s21  }
0x12: {  	s19 =	simm.s32 $0x300;
	[dreg:$0x9] =	wrdreg s23;
	s24 =	sadd.s32 s10, s7  }
0x13: {  	s25 =	sadd.s32 s10, s11;
	s26 =	sadd.s32 s10, s12;
	[dreg:$0xd] =	wrdreg s1  }
0x14: {  	s10 =	sadd.s32 s13, s7;
	s23 =	sadd.s32 $0x4400, s3;
	[dreg:$0x11] =	wrdreg s16  }
0x15: {  	s11 =	sadd.s32 s13, s11;
	s15 =	sadd.s32 s13, s12;
	[dreg:$0xa] =	wrdreg s24  }
0x16: {  	s18 =	sadd.s32 $0x87600, s14;
	s21 =	simm.s32 $0x280;
	[dreg:$0xb] =	wrdreg s25  }
0x17: {  	s13 =	simm.s32 $0x400;
	p1 =	sne.s32 s20, $0x1;
	[dreg:$0xc] =	wrdreg s26  }
0x18: {  	s28 =	sadd.s32 $0xFFFFFFFF, s20;
	s12 =	simm.s32 $0x4;
	[dreg:$0xe] =	wrdreg s10  }
0x19: {  	s16 =	simm.s32 $0x2;
	s20 =	simm.s32 $0x3;
	[dreg:$0xf] =	wrdreg s11  }
0x1a: {  	s14 =	simm.s32 $0x6;
	s7 =	simm.s32 $0x7;
	[dreg:$0x10] =	wrdreg s15  }
.Ltmp0:
0x1b: {  	s24 =	sadd.s32 $0x1200, s3;
	[dreg:$0x12] =	wrdreg s18;
	(pc) =	sbr.rel @!p1 .LBB2_1-.Ltmp0, $4  }
0x1c: {  	s3 =	simm.s32 $0x8;
	s25 =	simm.s32 $0xC480;
	s26 =	simm.s32 $0xC680  }
0x1d: {  	s18 =	simm.s32 $0x380;
	s11 =	simm.s32 $0x4400;
	s0 =	rddreg [dreg:$0x7]  }
0x1e: {  	s15 =	simm.s32 $0x1;
	s10 =	simm.s32 $0x5;
	[dreg:$0x13] =	wrdreg s25  }
0x1f: {  	[dreg:$0x14] =	wrdreg s26;
	s26 =	simm.s32 $0x100;
	s25 =	simm.s32 $0x180  }
0x20: {  	[tilespmem:s2], [sflag:$0x8] =	stream.linear.gather [hbm4b:s0+s2], $0x200, $0x38;
	[tilespmem:$0xC800] =	vst v63  }
0x21: {  	_ =	swait.ge [sflag:s3], $0x200  }
0x22: {  	[sflag:s3] =	ssyncset.done $0x0  }
0x23: {  	s1 =	rddreg [dreg:$0x8];
	[sflag:s3] =	ssyncadd.s32 $0xFFFFFE00  }
0x24: {  	[tilespmem:s22], [sflag:$0x8] =	stream.linear.gather [hbm4b:s1+s2], $0x200, $0x38;
	[tilespmem:$0xC800] =	vst v63  }
0x25: {  	_ =	swait.ge [sflag:s3], $0x200  }
0x26: {  	[sflag:s3] =	ssyncset.done $0x0  }
0x27: {  	[sflag:s3] =	ssyncadd.s32 $0xFFFFFE00  }
0x28: {  	[tilespmem:s6], [sflag:$0x7] =	stream.indirect.gather [hbm4b:s23+s9], $0x1, s2, s9, $0xb8;
	[tilespmem:$0xC800] =	vst v63  }
0x29: {  	_ = 	snop  }
0x2a: {  	[tilespmem:s5], [sflag:$0x7] =	stream.indirect.gather [hbm4b:s24+s9], $0x1, s22, s9, $0xb8;
	[tilespmem:$0xC800] =	vst v63  }
0x2b: {  	s0 =	rddreg [dreg:$0x13]  }
0x2c: {  	[tilespmem:s0], [sflag:$0x7] =	stream.indirect.gather [hbm4b:s23+s9], $0x1, s9, s9, $0xb8;
	[tilespmem:$0xC800] =	vst v63  }
0x2d: {  	s1 =	rddreg [dreg:$0x14]  }
0x2e: {  	[tilespmem:s1], [sflag:$0x7] =	stream.indirect.gather [hbm4b:s24+s9], $0x1, s21, s9, $0xb8;
	[tilespmem:$0xC800] =	vst v63  }
0x2f: {  	s1 =	simm.s32 $0xC500  }
0x30: {  	[tilespmem:s1], [sflag:$0x7] =	stream.indirect.gather [hbm4b:s23+s9], $0x1, s26, s9, $0xb8;
	[tilespmem:$0xC800] =	vst v63  }
0x31: {  	_ = 	snop  }
0x32: {  	[tilespmem:s30], [sflag:$0x7] =	stream.indirect.gather [hbm4b:s24+s9], $0x1, s19, s9, $0xb8;
	[tilespmem:$0xC800] =	vst v63  }
0x33: {  	_ = 	snop  }
0x34: {  	[tilespmem:s31], [sflag:$0x7] =	stream.indirect.gather [hbm4b:s23+s9], $0x1, s25, s9, $0xb8;
	[tilespmem:$0xC800] =	vst v63  }
0x35: {  	_ = 	snop  }
0x36: {  	[tilespmem:s29], [sflag:$0x7] =	stream.indirect.gather [hbm4b:s24+s9], $0x1, s18, s9, $0xb8;
	[tilespmem:$0xC800] =	vst v63  }
0x37: {  	_ = 	snop  }
0x38: {  	[tilespmem:s13], [sflag:$0x1] =	stream.indirect.gather [hbm4b:s8+s9], $0x80, s2, s9, $0xb8;
	[tilespmem:$0xC800] =	vst v63  }
0x39: {  	_ = 	snop  }
0x3a: {  	[tilespmem:s11], [sflag:$0x2] =	stream.indirect.gather [hbm4b:s8+s9], $0x80, s9, s9, $0xb8;
	[tilespmem:$0xC800] =	vst v63  }
0x3b: {  	_ = 	snop  }
0x3c: {  	[tilespmem:s17], [sflag:$0x3] =	stream.indirect.gather [hbm4b:s8+s9], $0x80, s26, s9, $0xb8;
	[tilespmem:$0xC800] =	vst v63  }
0x3d: {  	_ =	swait.ge [sflag:s15], $0x4000  }
0x3e: {  	[sflag:s15] =	ssyncset.done $0x0  }
0x3f: {  	s1 =	rddreg [dreg:$0x9];
	[sflag:s15] =	ssyncadd.s32 $0xFFFFC000  }
0x40: {  	[hbm4b:s1+s2] =	stream.linear.scatter [tilespmem:s13], [sflag:$0x4], $0x4000, $0x38;
	[tilespmem:$0xC800] =	vst v63  }
0x41: {  	_ =	swait.ge [sflag:s12], $0x4000  }
0x42: {  	[sflag:s12] =	ssyncset.done $0x0  }
0x43: {  	[sflag:s12] =	ssyncadd.s32 $0xFFFFC000  }
0x44: {  	[tilespmem:s13], [sflag:$0x1] =	stream.indirect.gather [hbm4b:s8+s9], $0x80, s25, s9, $0xb8;
	[tilespmem:$0xC800] =	vst v63  }
0x45: {  	_ =	swait.ge [sflag:s16], $0x4000  }
0x46: {  	[sflag:s16] =	ssyncset.done $0x0  }
0x47: {  	s1 =	rddreg [dreg:$0xa];
	[sflag:s16] =	ssyncadd.s32 $0xFFFFC000  }
0x48: {  	[hbm4b:s1+s2] =	stream.linear.scatter [tilespmem:s11], [sflag:$0x5], $0x4000, $0x38;
	[tilespmem:$0xC800] =	vst v63  }
0x49: {  	_ =	swait.ge [sflag:s10], $0x4000  }
0x4a: {  	[sflag:s10] =	ssyncset.done $0x0  }
0x4b: {  	[sflag:s10] =	ssyncadd.s32 $0xFFFFC000  }
0x4c: {  	[tilespmem:s11], [sflag:$0x2] =	stream.indirect.gather [hbm4b:s4+s9], $0x80, s22, s9, $0xb8;
	[tilespmem:$0xC800] =	vst v63  }
0x4d: {  	_ =	swait.ge [sflag:s20], $0x4000  }
0x4e: {  	[sflag:s20] =	ssyncset.done $0x0  }
0x4f: {  	s1 =	rddreg [dreg:$0xb];
	[sflag:s20] =	ssyncadd.s32 $0xFFFFC000  }
0x50: {  	[hbm4b:s1+s2] =	stream.linear.scatter [tilespmem:s17], [sflag:$0x6], $0x4000, $0x38;
	[tilespmem:$0xC800] =	vst v63  }
0x51: {  	_ =	swait.ge [sflag:s14], $0x4000  }
0x52: {  	[sflag:s14] =	ssyncset.done $0x0  }
0x53: {  	[sflag:s14] =	ssyncadd.s32 $0xFFFFC000  }
0x54: {  	[tilespmem:s17], [sflag:$0x3] =	stream.indirect.gather [hbm4b:s4+s9], $0x80, s21, s9, $0xb8;
	[tilespmem:$0xC800] =	vst v63  }
0x55: {  	_ =	swait.ge [sflag:s15], $0x4000  }
0x56: {  	[sflag:s15] =	ssyncset.done $0x0  }
0x57: {  	s1 =	rddreg [dreg:$0xc];
	[sflag:s15] =	ssyncadd.s32 $0xFFFFC000  }
0x58: {  	[hbm4b:s1+s2] =	stream.linear.scatter [tilespmem:s13], [sflag:$0x4], $0x4000, $0x38;
	[tilespmem:$0xC800] =	vst v63  }
0x59: {  	_ =	swait.ge [sflag:s12], $0x4000  }
0x5a: {  	[sflag:s12] =	ssyncset.done $0x0  }
0x5b: {  	[sflag:s12] =	ssyncadd.s32 $0xFFFFC000  }
0x5c: {  	[tilespmem:s13], [sflag:$0x1] =	stream.indirect.gather [hbm4b:s4+s9], $0x80, s19, s9, $0xb8;
	[tilespmem:$0xC800] =	vst v63  }
0x5d: {  	_ =	swait.ge [sflag:s16], $0x4000  }
0x5e: {  	[sflag:s16] =	ssyncset.done $0x0  }
0x5f: {  	s1 =	rddreg [dreg:$0xd];
	[sflag:s16] =	ssyncadd.s32 $0xFFFFC000  }
0x60: {  	[hbm4b:s1+s2] =	stream.linear.scatter [tilespmem:s11], [sflag:$0x5], $0x4000, $0x38;
	[tilespmem:$0xC800] =	vst v63  }
0x61: {  	_ =	swait.ge [sflag:s10], $0x4000  }
0x62: {  	[sflag:s10] =	ssyncset.done $0x0  }
0x63: {  	[sflag:s10] =	ssyncadd.s32 $0xFFFFC000  }
0x64: {  	[tilespmem:s11], [sflag:$0x2] =	stream.indirect.gather [hbm4b:s4+s9], $0x80, s18, s9, $0xb8;
	[tilespmem:$0xC800] =	vst v63  }
0x65: {  	_ =	swait.ge [sflag:s20], $0x4000  }
0x66: {  	[sflag:s20] =	ssyncset.done $0x0  }
0x67: {  	s1 =	rddreg [dreg:$0xe];
	[sflag:s20] =	ssyncadd.s32 $0xFFFFC000  }
0x68: {  	[hbm4b:s1+s2] =	stream.linear.scatter [tilespmem:s17], [sflag:$0x6], $0x4000, $0x38;
	[tilespmem:$0xC800] =	vst v63  }
0x69: {  	_ =	swait.ge [sflag:s15], $0x4000  }
0x6a: {  	[sflag:s15] =	ssyncset.done $0x0  }
0x6b: {  	s1 =	rddreg [dreg:$0xf];
	[sflag:s15] =	ssyncadd.s32 $0xFFFFC000  }
0x6c: {  	[hbm4b:s1+s2] =	stream.linear.scatter [tilespmem:s13], [sflag:$0x4], $0x4000, $0x38;
	[tilespmem:$0xC800] =	vst v63  }
0x6d: {  	_ =	swait.ge [sflag:s16], $0x4000  }
0x6e: {  	[sflag:s16] =	ssyncset.done $0x0  }
0x6f: {  	s1 =	rddreg [dreg:$0x10];
	[sflag:s16] =	ssyncadd.s32 $0xFFFFC000  }
0x70: {  	[hbm4b:s1+s2] =	stream.linear.scatter [tilespmem:s11], [sflag:$0x5], $0x4000, $0x38;
	[tilespmem:$0xC800] =	vst v63  }
0x71: {  	_ =	swait.ge [sflag:s14], $0x4000  }
0x72: {  	[sflag:s14] =	ssyncset.done $0x0  }
0x73: {  	[sflag:s14] =	ssyncadd.s32 $0xFFFFC000  }
0x74: {  	_ =	swait.ge [sflag:s12], $0x4000  }
0x75: {  	[sflag:s12] =	ssyncset.done $0x0  }
0x76: {  	[sflag:s12] =	ssyncadd.s32 $0xFFFFC000  }
0x77: {  	_ =	swait.ge [sflag:s10], $0x4000  }
0x78: {  	[sflag:s10] =	ssyncset.done $0x0  }
0x79: {  	[sflag:s10] =	ssyncadd.s32 $0xFFFFC000  }
0x7a: {  	_ =	swait.ge [sflag:s7], $0x80  }
0x7b: {  	[sflag:s7] =	ssyncset.done $0x0  }
0x7c: {  	[sflag:s7] =	ssyncadd.s32 $0xFFFFFF80  }
0x7d: {  	_ =	swait.ge [sflag:s7], $0x80  }
0x7e: {  	[sflag:s7] =	ssyncset.done $0x0  }
0x7f: {  	[sflag:s7] =	ssyncadd.s32 $0xFFFFFF80  }
0x80: {  	_ =	swait.ge [sflag:s7], $0x80  }
0x81: {  	[sflag:s7] =	ssyncset.done $0x0  }
0x82: {  	[sflag:s7] =	ssyncadd.s32 $0xFFFFFF80  }
0x83: {  	_ =	swait.ge [sflag:s7], $0x80  }
0x84: {  	[sflag:s7] =	ssyncset.done $0x0  }
0x85: {  	[sflag:s7] =	ssyncadd.s32 $0xFFFFFF80  }
0x86: {  	_ =	swait.ge [sflag:s7], $0x80  }
0x87: {  	[sflag:s7] =	ssyncset.done $0x0  }
0x88: {  	[sflag:s7] =	ssyncadd.s32 $0xFFFFFF80  }
0x89: {  	_ =	swait.ge [sflag:s7], $0x80  }
0x8a: {  	[sflag:s7] =	ssyncset.done $0x0  }
0x8b: {  	[sflag:s7] =	ssyncadd.s32 $0xFFFFFF80  }
0x8c: {  	_ =	swait.ge [sflag:s7], $0x80  }
0x8d: {  	[sflag:s7] =	ssyncset.done $0x0  }
0x8e: {  	[sflag:s7] =	ssyncadd.s32 $0xFFFFFF80  }
0x8f: {  	_ =	swait.ge [sflag:s7], $0x80  }
0x90: {  	[sflag:s7] =	ssyncset.done $0x0  }
0x91: {  	s1 =	rddreg [dreg:$0x11];
	[sflag:s7] =	ssyncadd.s32 $0xFFFFFF80  }
0x92: {  	[hbm4b:s1+s2] =	stream.linear.scatter [tilespmem:s6], [sflag:$0x8], $0x200, $0x38;
	[tilespmem:$0xC800] =	vst v63  }
0x93: {  	p1 =	sne.s32 s28, $0x1;
	_ =	swait.ge [sflag:s3], $0x200  }
.Ltmp1:
0x94: {  	[sflag:s3] =	ssyncset.done $0x0;
	(pc) =	sbr.rel @!p1 .LBB2_3-.Ltmp1, $4  }
0x95: {  	s1 =	rddreg [dreg:$0x12];
	[sflag:s3] =	ssyncadd.s32 $0xFFFFFE00  }
0x96: {  	[hbm4b:s1+s2] =	stream.linear.scatter [tilespmem:s5], [sflag:$0x8], $0x200, $0x38;
	[tilespmem:$0xC800] =	vst v63  }
0x97: {  	p0 =	por $0x1, $0x1;
	_ =	swait.ge [sflag:s3], $0x200  }
0x98: {  	s1 =	sadd.s32 $0xFFFFFFFF, s28;
	s0 =	rddreg [dreg:$0x7];
	[sflag:s3] =	ssyncset.done $0x0  }
.LBB2_4:
0x99: {  	[sflag:s3] =	ssyncadd.s32 $0xFFFFFE00  }
0x9a: {  	[tilespmem:s2], [sflag:$0x8] =	stream.linear.gather [hbm4b:s0+s2], $0x200, $0x38;
	[tilespmem:$0xC800] =	vst v63  }
0x9b: {  	_ =	swait.ge [sflag:s3], $0x200  }
0x9c: {  	[sflag:s3] =	ssyncset.done $0x0  }
0x9d: {  	s28 =	rddreg [dreg:$0x8];
	[sflag:s3] =	ssyncadd.s32 $0xFFFFFE00  }
0x9e: {  	[tilespmem:s22], [sflag:$0x8] =	stream.linear.gather [hbm4b:s28+s2], $0x200, $0x38;
	[tilespmem:$0xC800] =	vst v63  }
0x9f: {  	_ =	swait.ge [sflag:s3], $0x200  }
0xa0: {  	[sflag:s3] =	ssyncset.done $0x0  }
0xa1: {  	[sflag:s3] =	ssyncadd.s32 $0xFFFFFE00  }
0xa2: {  	[tilespmem:s6], [sflag:$0x7] =	stream.indirect.gather [hbm4b:s23+s9], $0x1, s2, s9, $0xb8;
	[tilespmem:$0xC800] =	vst v63  }
0xa3: {  	_ = 	snop  }
0xa4: {  	[tilespmem:s5], [sflag:$0x7] =	stream.indirect.gather [hbm4b:s24+s9], $0x1, s22, s9, $0xb8;
	[tilespmem:$0xC800] =	vst v63  }
0xa5: {  	s0 =	rddreg [dreg:$0x13]  }
0xa6: {  	[tilespmem:s0], [sflag:$0x7] =	stream.indirect.gather [hbm4b:s23+s9], $0x1, s9, s9, $0xb8;
	[tilespmem:$0xC800] =	vst v63  }
0xa7: {  	s28 =	rddreg [dreg:$0x14]  }
0xa8: {  	[tilespmem:s28], [sflag:$0x7] =	stream.indirect.gather [hbm4b:s24+s9], $0x1, s21, s9, $0xb8;
	[tilespmem:$0xC800] =	vst v63  }
0xa9: {  	s28 =	simm.s32 $0xC500  }
0xaa: {  	[tilespmem:s28], [sflag:$0x7] =	stream.indirect.gather [hbm4b:s23+s9], $0x1, s26, s9, $0xb8;
	[tilespmem:$0xC800] =	vst v63  }
0xab: {  	_ = 	snop  }
0xac: {  	[tilespmem:s30], [sflag:$0x7] =	stream.indirect.gather [hbm4b:s24+s9], $0x1, s19, s9, $0xb8;
	[tilespmem:$0xC800] =	vst v63  }
0xad: {  	_ = 	snop  }
0xae: {  	[tilespmem:s31], [sflag:$0x7] =	stream.indirect.gather [hbm4b:s23+s9], $0x1, s25, s9, $0xb8;
	[tilespmem:$0xC800] =	vst v63  }
0xaf: {  	_ = 	snop  }
0xb0: {  	[tilespmem:s29], [sflag:$0x7] =	stream.indirect.gather [hbm4b:s24+s9], $0x1, s18, s9, $0xb8;
	[tilespmem:$0xC800] =	vst v63  }
0xb1: {  	_ = 	snop  }
0xb2: {  	[tilespmem:s13], [sflag:$0x1] =	stream.indirect.gather [hbm4b:s8+s9], $0x80, s2, s9, $0xb8;
	[tilespmem:$0xC800] =	vst v63  }
0xb3: {  	_ = 	snop  }
0xb4: {  	[tilespmem:s11], [sflag:$0x2] =	stream.indirect.gather [hbm4b:s8+s9], $0x80, s9, s9, $0xb8;
	[tilespmem:$0xC800] =	vst v63  }
0xb5: {  	_ = 	snop  }
0xb6: {  	[tilespmem:s17], [sflag:$0x3] =	stream.indirect.gather [hbm4b:s8+s9], $0x80, s26, s9, $0xb8;
	[tilespmem:$0xC800] =	vst v63  }
0xb7: {  	_ =	swait.ge [sflag:s15], $0x4000  }
0xb8: {  	[sflag:s15] =	ssyncset.done $0x0  }
0xb9: {  	s28 =	rddreg [dreg:$0x9];
	[sflag:s15] =	ssyncadd.s32 $0xFFFFC000  }
0xba: {  	[hbm4b:s28+s2] =	stream.linear.scatter [tilespmem:s13], [sflag:$0x4], $0x4000, $0x38;
	[tilespmem:$0xC800] =	vst v63  }
0xbb: {  	_ =	swait.ge [sflag:s12], $0x4000  }
0xbc: {  	[sflag:s12] =	ssyncset.done $0x0  }
0xbd: {  	[sflag:s12] =	ssyncadd.s32 $0xFFFFC000  }
0xbe: {  	[tilespmem:s13], [sflag:$0x1] =	stream.indirect.gather [hbm4b:s8+s9], $0x80, s25, s9, $0xb8;
	[tilespmem:$0xC800] =	vst v63  }
0xbf: {  	_ =	swait.ge [sflag:s16], $0x4000  }
0xc0: {  	[sflag:s16] =	ssyncset.done $0x0  }
0xc1: {  	s28 =	rddreg [dreg:$0xa];
	[sflag:s16] =	ssyncadd.s32 $0xFFFFC000  }
0xc2: {  	[hbm4b:s28+s2] =	stream.linear.scatter [tilespmem:s11], [sflag:$0x5], $0x4000, $0x38;
	[tilespmem:$0xC800] =	vst v63  }
0xc3: {  	_ =	swait.ge [sflag:s10], $0x4000  }
0xc4: {  	[sflag:s10] =	ssyncset.done $0x0  }
0xc5: {  	[sflag:s10] =	ssyncadd.s32 $0xFFFFC000  }
0xc6: {  	[tilespmem:s11], [sflag:$0x2] =	stream.indirect.gather [hbm4b:s4+s9], $0x80, s22, s9, $0xb8;
	[tilespmem:$0xC800] =	vst v63  }
0xc7: {  	_ =	swait.ge [sflag:s20], $0x4000  }
0xc8: {  	[sflag:s20] =	ssyncset.done $0x0  }
0xc9: {  	s28 =	rddreg [dreg:$0xb];
	[sflag:s20] =	ssyncadd.s32 $0xFFFFC000  }
0xca: {  	[hbm4b:s28+s2] =	stream.linear.scatter [tilespmem:s17], [sflag:$0x6], $0x4000, $0x38;
	[tilespmem:$0xC800] =	vst v63  }
0xcb: {  	_ =	swait.ge [sflag:s14], $0x4000  }
0xcc: {  	[sflag:s14] =	ssyncset.done $0x0  }
0xcd: {  	[sflag:s14] =	ssyncadd.s32 $0xFFFFC000  }
0xce: {  	[tilespmem:s17], [sflag:$0x3] =	stream.indirect.gather [hbm4b:s4+s9], $0x80, s21, s9, $0xb8;
	[tilespmem:$0xC800] =	vst v63  }
0xcf: {  	_ =	swait.ge [sflag:s15], $0x4000  }
0xd0: {  	[sflag:s15] =	ssyncset.done $0x0  }
0xd1: {  	s28 =	rddreg [dreg:$0xc];
	[sflag:s15] =	ssyncadd.s32 $0xFFFFC000  }
0xd2: {  	[hbm4b:s28+s2] =	stream.linear.scatter [tilespmem:s13], [sflag:$0x4], $0x4000, $0x38;
	[tilespmem:$0xC800] =	vst v63  }
0xd3: {  	_ =	swait.ge [sflag:s12], $0x4000  }
0xd4: {  	[sflag:s12] =	ssyncset.done $0x0  }
0xd5: {  	[sflag:s12] =	ssyncadd.s32 $0xFFFFC000  }
0xd6: {  	[tilespmem:s13], [sflag:$0x1] =	stream.indirect.gather [hbm4b:s4+s9], $0x80, s19, s9, $0xb8;
	[tilespmem:$0xC800] =	vst v63  }
0xd7: {  	_ =	swait.ge [sflag:s16], $0x4000  }
0xd8: {  	[sflag:s16] =	ssyncset.done $0x0  }
0xd9: {  	s28 =	rddreg [dreg:$0xd];
	[sflag:s16] =	ssyncadd.s32 $0xFFFFC000  }
0xda: {  	[hbm4b:s28+s2] =	stream.linear.scatter [tilespmem:s11], [sflag:$0x5], $0x4000, $0x38;
	[tilespmem:$0xC800] =	vst v63  }
0xdb: {  	_ =	swait.ge [sflag:s10], $0x4000  }
0xdc: {  	[sflag:s10] =	ssyncset.done $0x0  }
0xdd: {  	[sflag:s10] =	ssyncadd.s32 $0xFFFFC000  }
0xde: {  	[tilespmem:s11], [sflag:$0x2] =	stream.indirect.gather [hbm4b:s4+s9], $0x80, s18, s9, $0xb8;
	[tilespmem:$0xC800] =	vst v63  }
0xdf: {  	_ =	swait.ge [sflag:s20], $0x4000  }
0xe0: {  	[sflag:s20] =	ssyncset.done $0x0  }
0xe1: {  	s28 =	rddreg [dreg:$0xe];
	[sflag:s20] =	ssyncadd.s32 $0xFFFFC000  }
0xe2: {  	[hbm4b:s28+s2] =	stream.linear.scatter [tilespmem:s17], [sflag:$0x6], $0x4000, $0x38;
	[tilespmem:$0xC800] =	vst v63  }
0xe3: {  	_ =	swait.ge [sflag:s15], $0x4000  }
0xe4: {  	[sflag:s15] =	ssyncset.done $0x0  }
0xe5: {  	s28 =	rddreg [dreg:$0xf];
	[sflag:s15] =	ssyncadd.s32 $0xFFFFC000  }
0xe6: {  	[hbm4b:s28+s2] =	stream.linear.scatter [tilespmem:s13], [sflag:$0x4], $0x4000, $0x38;
	[tilespmem:$0xC800] =	vst v63  }
0xe7: {  	_ =	swait.ge [sflag:s16], $0x4000  }
0xe8: {  	[sflag:s16] =	ssyncset.done $0x0  }
0xe9: {  	s28 =	rddreg [dreg:$0x10];
	[sflag:s16] =	ssyncadd.s32 $0xFFFFC000  }
0xea: {  	[hbm4b:s28+s2] =	stream.linear.scatter [tilespmem:s11], [sflag:$0x5], $0x4000, $0x38;
	[tilespmem:$0xC800] =	vst v63  }
0xeb: {  	_ =	swait.ge [sflag:s14], $0x4000  }
0xec: {  	[sflag:s14] =	ssyncset.done $0x0  }
0xed: {  	[sflag:s14] =	ssyncadd.s32 $0xFFFFC000  }
0xee: {  	_ =	swait.ge [sflag:s12], $0x4000  }
0xef: {  	[sflag:s12] =	ssyncset.done $0x0  }
0xf0: {  	[sflag:s12] =	ssyncadd.s32 $0xFFFFC000  }
0xf1: {  	_ =	swait.ge [sflag:s10], $0x4000  }
0xf2: {  	[sflag:s10] =	ssyncset.done $0x0  }
0xf3: {  	[sflag:s10] =	ssyncadd.s32 $0xFFFFC000  }
0xf4: {  	_ =	swait.ge [sflag:s7], $0x80  }
0xf5: {  	[sflag:s7] =	ssyncset.done $0x0  }
0xf6: {  	[sflag:s7] =	ssyncadd.s32 $0xFFFFFF80  }
0xf7: {  	_ =	swait.ge [sflag:s7], $0x80  }
0xf8: {  	[sflag:s7] =	ssyncset.done $0x0  }
0xf9: {  	[sflag:s7] =	ssyncadd.s32 $0xFFFFFF80  }
0xfa: {  	_ =	swait.ge [sflag:s7], $0x80  }
0xfb: {  	[sflag:s7] =	ssyncset.done $0x0  }
0xfc: {  	[sflag:s7] =	ssyncadd.s32 $0xFFFFFF80  }
0xfd: {  	_ =	swait.ge [sflag:s7], $0x80  }
0xfe: {  	[sflag:s7] =	ssyncset.done $0x0  }
0xff: {  	[sflag:s7] =	ssyncadd.s32 $0xFFFFFF80  }
0x100: {  	_ =	swait.ge [sflag:s7], $0x80  }
0x101: {  	[sflag:s7] =	ssyncset.done $0x0  }
0x102: {  	[sflag:s7] =	ssyncadd.s32 $0xFFFFFF80  }
0x103: {  	_ =	swait.ge [sflag:s7], $0x80  }
0x104: {  	[sflag:s7] =	ssyncset.done $0x0  }
0x105: {  	[sflag:s7] =	ssyncadd.s32 $0xFFFFFF80  }
0x106: {  	_ =	swait.ge [sflag:s7], $0x80  }
0x107: {  	[sflag:s7] =	ssyncset.done $0x0  }
0x108: {  	[sflag:s7] =	ssyncadd.s32 $0xFFFFFF80  }
0x109: {  	_ =	swait.ge [sflag:s7], $0x80  }
0x10a: {  	[sflag:s7] =	ssyncset.done $0x0  }
0x10b: {  	s28 =	rddreg [dreg:$0x11];
	[sflag:s7] =	ssyncadd.s32 $0xFFFFFF80  }
0x10c: {  	[hbm4b:s28+s2] =	stream.linear.scatter [tilespmem:s6], [sflag:$0x8], $0x200, $0x38;
	[tilespmem:$0xC800] =	vst v63  }
0x10d: {  	p1 =	sne.s32 s1, $0x1;
	_ =	swait.ge [sflag:s3], $0x200  }
.Ltmp2:
0x10e: {  	[sflag:s3] =	ssyncset.done $0x0;
	(pc) =	sbr.rel @p1 .LBB2_4-.Ltmp2, $4  }
0x10f: {  	s28 =	rddreg [dreg:$0x12];
	[sflag:s3] =	ssyncadd.s32 $0xFFFFFE00  }
0x110: {  	[hbm4b:s28+s2] =	stream.linear.scatter [tilespmem:s5], [sflag:$0x8], $0x200, $0x38;
	[tilespmem:$0xC800] =	vst v63  }
0x111: {  	_ =	swait.ge [sflag:s3], $0x200  }
0x112: {  	s1 =	sadd.s32 $0xFFFFFFFF, s1;
	s0 =	rddreg [dreg:$0x7];
	[sflag:s3] =	ssyncset.done $0x0  }
0x113: {  	s28 =	simm.s32 $0xC780  }
0x114: {  	s31 =	simm.s32 $0xC580;
	s30 =	simm.s32 $0xC700;
	s29 =	simm.s32 $0xC500  }
.LBB2_6:
0x115: {  	[sflag:s3] =	ssyncadd.s32 @p0 $0xFFFFFE00  }
0x116: {  	[tilespmem:s2], [sflag:$0x8] =	stream.linear.gather [hbm4b:s0+s2], $0x200, $0x38;
	[tilespmem:$0xC800] =	vst v63  }
0x117: {  	_ =	swait.ge [sflag:s3], $0x200  }
0x118: {  	[sflag:s3] =	ssyncset.done $0x0  }
0x119: {  	s1 =	rddreg [dreg:$0x8];
	[sflag:s3] =	ssyncadd.s32 $0xFFFFFE00  }
0x11a: {  	[tilespmem:s22], [sflag:$0x8] =	stream.linear.gather [hbm4b:s1+s2], $0x200, $0x38;
	[tilespmem:$0xC800] =	vst v63  }
0x11b: {  	_ =	swait.ge [sflag:s3], $0x200  }
0x11c: {  	[sflag:s3] =	ssyncset.done $0x0  }
0x11d: {  	[sflag:s3] =	ssyncadd.s32 $0xFFFFFE00  }
0x11e: {  	[tilespmem:s6], [sflag:$0x7] =	stream.indirect.gather [hbm4b:s23+s9], $0x1, s2, s9, $0xb8;
	[tilespmem:$0xC800] =	vst v63  }
0x11f: {  	_ = 	snop  }
0x120: {  	[tilespmem:s5], [sflag:$0x7] =	stream.indirect.gather [hbm4b:s24+s9], $0x1, s22, s9, $0xb8;
	[tilespmem:$0xC800] =	vst v63  }
0x121: {  	s0 =	rddreg [dreg:$0x13]  }
0x122: {  	[tilespmem:s0], [sflag:$0x7] =	stream.indirect.gather [hbm4b:s23+s9], $0x1, s9, s9, $0xb8;
	[tilespmem:$0xC800] =	vst v63  }
0x123: {  	s1 =	rddreg [dreg:$0x14]  }
0x124: {  	[tilespmem:s1], [sflag:$0x7] =	stream.indirect.gather [hbm4b:s24+s9], $0x1, s21, s9, $0xb8;
	[tilespmem:$0xC800] =	vst v63  }
0x125: {  	_ = 	snop  }
0x126: {  	[tilespmem:s29], [sflag:$0x7] =	stream.indirect.gather [hbm4b:s23+s9], $0x1, s26, s9, $0xb8;
	[tilespmem:$0xC800] =	vst v63  }
0x127: {  	_ = 	snop  }
0x128: {  	[tilespmem:s30], [sflag:$0x7] =	stream.indirect.gather [hbm4b:s24+s9], $0x1, s19, s9, $0xb8;
	[tilespmem:$0xC800] =	vst v63  }
0x129: {  	_ = 	snop  }
0x12a: {  	[tilespmem:s31], [sflag:$0x7] =	stream.indirect.gather [hbm4b:s23+s9], $0x1, s25, s9, $0xb8;
	[tilespmem:$0xC800] =	vst v63  }
0x12b: {  	_ = 	snop  }
0x12c: {  	[tilespmem:s28], [sflag:$0x7] =	stream.indirect.gather [hbm4b:s24+s9], $0x1, s18, s9, $0xb8;
	[tilespmem:$0xC800] =	vst v63  }
0x12d: {  	_ = 	snop  }
0x12e: {  	[tilespmem:s13], [sflag:$0x1] =	stream.indirect.gather [hbm4b:s8+s9], $0x80, s2, s9, $0xb8;
	[tilespmem:$0xC800] =	vst v63  }
0x12f: {  	_ = 	snop  }
0x130: {  	[tilespmem:s11], [sflag:$0x2] =	stream.indirect.gather [hbm4b:s8+s9], $0x80, s9, s9, $0xb8;
	[tilespmem:$0xC800] =	vst v63  }
0x131: {  	_ = 	snop  }
0x132: {  	[tilespmem:s17], [sflag:$0x3] =	stream.indirect.gather [hbm4b:s8+s9], $0x80, s26, s9, $0xb8;
	[tilespmem:$0xC800] =	vst v63  }
0x133: {  	_ =	swait.ge [sflag:s15], $0x4000  }
0x134: {  	[sflag:s15] =	ssyncset.done $0x0  }
0x135: {  	s1 =	rddreg [dreg:$0x9];
	[sflag:s15] =	ssyncadd.s32 $0xFFFFC000  }
0x136: {  	[hbm4b:s1+s2] =	stream.linear.scatter [tilespmem:s13], [sflag:$0x4], $0x4000, $0x38;
	[tilespmem:$0xC800] =	vst v63  }
0x137: {  	_ =	swait.ge [sflag:s12], $0x4000  }
0x138: {  	[sflag:s12] =	ssyncset.done $0x0  }
0x139: {  	[sflag:s12] =	ssyncadd.s32 $0xFFFFC000  }
0x13a: {  	[tilespmem:s13], [sflag:$0x1] =	stream.indirect.gather [hbm4b:s8+s9], $0x80, s25, s9, $0xb8;
	[tilespmem:$0xC800] =	vst v63  }
0x13b: {  	_ =	swait.ge [sflag:s16], $0x4000  }
0x13c: {  	[sflag:s16] =	ssyncset.done $0x0  }
0x13d: {  	s8 =	rddreg [dreg:$0xa];
	[sflag:s16] =	ssyncadd.s32 $0xFFFFC000  }
0x13e: {  	[hbm4b:s8+s2] =	stream.linear.scatter [tilespmem:s11], [sflag:$0x5], $0x4000, $0x38;
	[tilespmem:$0xC800] =	vst v63  }
0x13f: {  	_ =	swait.ge [sflag:s10], $0x4000  }
0x140: {  	[sflag:s10] =	ssyncset.done $0x0  }
0x141: {  	[sflag:s10] =	ssyncadd.s32 $0xFFFFC000  }
0x142: {  	[tilespmem:s11], [sflag:$0x2] =	stream.indirect.gather [hbm4b:s4+s9], $0x80, s22, s9, $0xb8;
	[tilespmem:$0xC800] =	vst v63  }
0x143: {  	_ =	swait.ge [sflag:s20], $0x4000  }
0x144: {  	[sflag:s20] =	ssyncset.done $0x0  }
0x145: {  	s22 =	rddreg [dreg:$0xb];
	[sflag:s20] =	ssyncadd.s32 $0xFFFFC000  }
0x146: {  	[hbm4b:s22+s2] =	stream.linear.scatter [tilespmem:s17], [sflag:$0x6], $0x4000, $0x38;
	[tilespmem:$0xC800] =	vst v63  }
0x147: {  	_ =	swait.ge [sflag:s14], $0x4000  }
0x148: {  	[sflag:s14] =	ssyncset.done $0x0  }
0x149: {  	[sflag:s14] =	ssyncadd.s32 $0xFFFFC000  }
0x14a: {  	[tilespmem:s17], [sflag:$0x3] =	stream.indirect.gather [hbm4b:s4+s9], $0x80, s21, s9, $0xb8;
	[tilespmem:$0xC800] =	vst v63  }
0x14b: {  	_ =	swait.ge [sflag:s15], $0x4000  }
0x14c: {  	[sflag:s15] =	ssyncset.done $0x0  }
0x14d: {  	s23 =	rddreg [dreg:$0xc];
	[sflag:s15] =	ssyncadd.s32 $0xFFFFC000  }
0x14e: {  	[hbm4b:s23+s2] =	stream.linear.scatter [tilespmem:s13], [sflag:$0x4], $0x4000, $0x38;
	[tilespmem:$0xC800] =	vst v63  }
0x14f: {  	_ =	swait.ge [sflag:s12], $0x4000  }
0x150: {  	[sflag:s12] =	ssyncset.done $0x0  }
0x151: {  	[sflag:s12] =	ssyncadd.s32 $0xFFFFC000  }
0x152: {  	[tilespmem:s13], [sflag:$0x1] =	stream.indirect.gather [hbm4b:s4+s9], $0x80, s19, s9, $0xb8;
	[tilespmem:$0xC800] =	vst v63  }
0x153: {  	_ =	swait.ge [sflag:s16], $0x4000  }
0x154: {  	[sflag:s16] =	ssyncset.done $0x0  }
0x155: {  	s24 =	rddreg [dreg:$0xd];
	[sflag:s16] =	ssyncadd.s32 $0xFFFFC000  }
0x156: {  	[hbm4b:s24+s2] =	stream.linear.scatter [tilespmem:s11], [sflag:$0x5], $0x4000, $0x38;
	[tilespmem:$0xC800] =	vst v63  }
0x157: {  	_ =	swait.ge [sflag:s10], $0x4000  }
0x158: {  	[sflag:s10] =	ssyncset.done $0x0  }
0x159: {  	[sflag:s10] =	ssyncadd.s32 $0xFFFFC000  }
0x15a: {  	[tilespmem:s11], [sflag:$0x2] =	stream.indirect.gather [hbm4b:s4+s9], $0x80, s18, s9, $0xb8;
	[tilespmem:$0xC800] =	vst v63  }
0x15b: {  	_ =	swait.ge [sflag:s20], $0x4000  }
0x15c: {  	[sflag:s20] =	ssyncset.done $0x0  }
0x15d: {  	s25 =	rddreg [dreg:$0xe];
	[sflag:s20] =	ssyncadd.s32 $0xFFFFC000  }
0x15e: {  	[hbm4b:s25+s2] =	stream.linear.scatter [tilespmem:s17], [sflag:$0x6], $0x4000, $0x38;
	[tilespmem:$0xC800] =	vst v63  }
0x15f: {  	_ =	swait.ge [sflag:s15], $0x4000  }
0x160: {  	[sflag:s15] =	ssyncset.done $0x0  }
0x161: {  	s26 =	rddreg [dreg:$0xf];
	[sflag:s15] =	ssyncadd.s32 $0xFFFFC000  }
0x162: {  	[hbm4b:s26+s2] =	stream.linear.scatter [tilespmem:s13], [sflag:$0x4], $0x4000, $0x38;
	[tilespmem:$0xC800] =	vst v63  }
0x163: {  	_ =	swait.ge [sflag:s16], $0x4000  }
0x164: {  	[sflag:s16] =	ssyncset.done $0x0  }
0x165: {  	s28 =	rddreg [dreg:$0x10];
	[sflag:s16] =	ssyncadd.s32 $0xFFFFC000  }
0x166: {  	[hbm4b:s28+s2] =	stream.linear.scatter [tilespmem:s11], [sflag:$0x5], $0x4000, $0x38;
	[tilespmem:$0xC800] =	vst v63  }
0x167: {  	_ =	swait.ge [sflag:s14], $0x4000  }
0x168: {  	[sflag:s14] =	ssyncset.done $0x0  }
0x169: {  	[sflag:s14] =	ssyncadd.s32 $0xFFFFC000  }
0x16a: {  	_ =	swait.ge [sflag:s12], $0x4000  }
0x16b: {  	[sflag:s12] =	ssyncset.done $0x0  }
0x16c: {  	[sflag:s12] =	ssyncadd.s32 $0xFFFFC000  }
0x16d: {  	_ =	swait.ge [sflag:s10], $0x4000  }
0x16e: {  	[sflag:s10] =	ssyncset.done $0x0  }
0x16f: {  	[sflag:s10] =	ssyncadd.s32 $0xFFFFC000  }
0x170: {  	_ =	swait.ge [sflag:s7], $0x80  }
0x171: {  	[sflag:s7] =	ssyncset.done $0x0  }
0x172: {  	[sflag:s7] =	ssyncadd.s32 $0xFFFFFF80  }
0x173: {  	_ =	swait.ge [sflag:s7], $0x80  }
0x174: {  	[sflag:s7] =	ssyncset.done $0x0  }
0x175: {  	[sflag:s7] =	ssyncadd.s32 $0xFFFFFF80  }
0x176: {  	_ =	swait.ge [sflag:s7], $0x80  }
0x177: {  	[sflag:s7] =	ssyncset.done $0x0  }
0x178: {  	[sflag:s7] =	ssyncadd.s32 $0xFFFFFF80  }
0x179: {  	_ =	swait.ge [sflag:s7], $0x80  }
0x17a: {  	[sflag:s7] =	ssyncset.done $0x0  }
0x17b: {  	[sflag:s7] =	ssyncadd.s32 $0xFFFFFF80  }
0x17c: {  	_ =	swait.ge [sflag:s7], $0x80  }
0x17d: {  	[sflag:s7] =	ssyncset.done $0x0  }
0x17e: {  	[sflag:s7] =	ssyncadd.s32 $0xFFFFFF80  }
0x17f: {  	_ =	swait.ge [sflag:s7], $0x80  }
0x180: {  	[sflag:s7] =	ssyncset.done $0x0  }
0x181: {  	[sflag:s7] =	ssyncadd.s32 $0xFFFFFF80  }
0x182: {  	_ =	swait.ge [sflag:s7], $0x80  }
0x183: {  	[sflag:s7] =	ssyncset.done $0x0  }
0x184: {  	[sflag:s7] =	ssyncadd.s32 $0xFFFFFF80  }
0x185: {  	_ =	swait.ge [sflag:s7], $0x80  }
0x186: {  	[sflag:s7] =	ssyncset.done $0x0  }
0x187: {  	s29 =	rddreg [dreg:$0x11];
	[sflag:s7] =	ssyncadd.s32 $0xFFFFFF80  }
0x188: {  	[hbm4b:s29+s2] =	stream.linear.scatter [tilespmem:s6], [sflag:$0x8], $0x200, $0x38;
	[tilespmem:$0xC800] =	vst v63  }
0x189: {  	_ =	swait.ge [sflag:s3], $0x200  }
0x18a: {  	[sflag:s3] =	ssyncset.done $0x0  }
0x18b: {  	s30 =	rddreg [dreg:$0x12];
	[sflag:s3] =	ssyncadd.s32 $0xFFFFFE00  }
0x18c: {  	[hbm4b:s30+s2] =	stream.linear.scatter [tilespmem:s5], [sflag:$0x8], $0x200, $0x38;
	[tilespmem:$0xC800] =	vst v63  }
0x18d: {  	_ =	swait.ge [sflag:s3], $0x200  }
0x18e: {  	[sflag:s3] =	ssyncset.done $0x0  }
0x18f: {  	[sflag:s3] =	ssyncadd.s32 $0xFFFFFE00  }
0x190: {  	_ =	sfence.sel $0x180000  }
0x191: {  	[bflag:$0x0] =	sbarrier.arrive $0xFFFF  }
0x192: {  	_ =	strace $0x90000047  }
0x193: {  	s31 =	stileid.u32;
	[bflag:$0x2] =	sbarrier.arrive $0xFFFF  }
0x194: {  	p0 =	sne.s32 s31, $0x0;
	s0 =	rddreg [dreg:$0x6]  }
0x195: {  	s0 =	sadd.s32 @!p0 $0x100000, s0  }
0x196: {  	[sflag:s0] =	ssyncadd.tile.s32 @!p0 $0x1;
	_ =	shalt  }
.LBB2_1:
.Ltmp3:
0x197: {  	(pc) =	sbr.rel .LBB2_6-.Ltmp3, $3  }
0x198: {  	_ =	sdelay $0x1  }
0x199: {  	s28 =	simm.s32 $0xC780  }
0x19a: {  	s31 =	simm.s32 $0xC580;
	s30 =	simm.s32 $0xC700;
	s29 =	simm.s32 $0xC500  }
.LBB2_3:
.Ltmp4:
0x19b: {  	(pc) =	sbr.rel .LBB2_6-.Ltmp4, $3  }
0x19c: {  	_ =	sdelay $0x1  }
0x19d: {  	s28 =	simm.s32 $0xC780  }
0x19e: {  	s31 =	simm.s32 $0xC580;
	s30 =	simm.s32 $0xC700;
	s29 =	simm.s32 $0xC500  }
.Lfunc_end2:
_tile_overlayer_lowered:
.L_overlay_start_2:
0x19f: {  	(tag) =	ssettag $0x2  }
0x1a0: {  	s0 =	rddreg [dreg:$0x0];
	s2 =	stileid.u32  }
0x1a1: {  	s1 =	rddreg [dreg:$0x1];
	p0 =	sne.s32 s2, $0x0  }
0x1a2: {  	s3 =	rddreg [dreg:$0x2];
	[bflag:$0x3] =	sbarrier.arrive $0xFFFF;
	s2 =	simm.s32 @!p0 $0x1C08  }
0x1a3: {  	[timem:s3], [sflag:s2] =	dma.local @!p0 [hbm:s0], s1  }
0x1a4: {  	s0 =	simm.s32 @!p0 $0x8  }
0x1a5: {  	_ =	swait.ge @!p0 [sflag:s0], s1  }
0x1a6: {  	s1 =	ssub.s32 @!p0 $0x0, s1;
	[sflag:s0] =	ssyncset.done @!p0 $0x0  }
0x1a7: {  	[sflag:s0] =	ssyncadd.s32 @!p0 s1  }
0x1a8: {  	[bflag:$0x3] =	sbarrier.arrive $0xFFFF  }
0x1a9: {  	_ =	shalt  }

</sc_bundles>
